<compile_context>
chip_gen: v7x
topology: tpu7x:2x2x1
jax: 0.10.2.dev20260603
libtpu: 0.0.44.dev20260713+nightly
codegen_flags: <defaults>
</compile_context>

<pallas_src>
import functools

import jax
import jax.numpy as jnp
from jax import lax
from jax.experimental import pallas as pl
from jax.experimental.pallas import tpu as pltpu
from jax.experimental.pallas import tpu_sc as plsc

N = 10000
E = 320000
H = 128
EF = 16

NC = 2
NS = 16
NW = NC * NS


_BN = 1000


def _proj_body(h_ref, wi_ref, wj_ref, g_ref, k_ref):
    hb = h_ref[...]
    g_ref[...] = jnp.dot(hb, wi_ref[...], preferred_element_type=jnp.float32)
    k_ref[...] = jnp.dot(hb, wj_ref[...], preferred_element_type=jnp.float32)


def _proj(h, wi, wj):
    grid = (N // _BN,)
    return pl.pallas_call(
        _proj_body,
        grid=grid,
        in_specs=[
            pl.BlockSpec((_BN, H), lambda i: (i, 0)),
            pl.BlockSpec((H, H), lambda i: (0, 0)),
            pl.BlockSpec((H, H), lambda i: (0, 0)),
        ],
        out_specs=[
            pl.BlockSpec((_BN, H), lambda i: (i, 0)),
            pl.BlockSpec((_BN, H), lambda i: (i, 0)),
        ],
        out_shape=[
            jax.ShapeDtypeStruct((N, H), jnp.float32),
            jax.ShapeDtypeStruct((N, H), jnp.float32),
        ],
    )(h, wi, wj)



_GC = 80
_PER_W = E // NW
_GCHUNKS = _PER_W // _GC

@functools.cache
def _sc_mesh():
    return plsc.VectorSubcoreMesh(core_axis_name="c", subcore_axis_name="s",
                                  num_cores=NC, num_subcores=NS)


@functools.cache
def _gather_call():
    return pl.kernel(
        _gather_body,
        out_type=jax.ShapeDtypeStruct((E, H), jnp.float32),
        mesh=_sc_mesh(),
        scratch_types=[
            pltpu.VMEM((2, _GC), jnp.int32),
            pltpu.VMEM((2, _GC), jnp.int32),
            pltpu.VMEM((2, _GC, H), jnp.float32),
            pltpu.VMEM((2, _GC, H), jnp.float32),
            pltpu.SemaphoreType.DMA,
            pltpu.SemaphoreType.DMA,
            pltpu.SemaphoreType.DMA,
        ],
    )


def _gather_body(g_hbm, k_hbm, dst_hbm, src_hbm, u_hbm,
                 didx, sidx, bufg, bufk, isem, gsem, wsem):
    wid = lax.axis_index("s") * NC + lax.axis_index("c")
    base0 = wid * _PER_W

    def idx_start(i, slot):
        base = base0 + i * _GC
        pltpu.async_copy(dst_hbm.at[pl.ds(base, _GC)], didx.at[slot], isem)
        pltpu.async_copy(src_hbm.at[pl.ds(base, _GC)], sidx.at[slot], isem)

    def idx_wait(i, slot):
        base = base0 + i * _GC
        pltpu.make_async_copy(dst_hbm.at[pl.ds(base, _GC)], didx.at[slot],
                              isem).wait()
        pltpu.make_async_copy(src_hbm.at[pl.ds(base, _GC)], sidx.at[slot],
                              isem).wait()

    def g_start(slot):
        pltpu.async_copy(g_hbm.at[didx.at[slot]], bufg.at[slot], gsem)
        pltpu.async_copy(k_hbm.at[sidx.at[slot]], bufk.at[slot], gsem)

    def g_wait(slot):
        pltpu.make_async_copy(g_hbm.at[didx.at[slot]], bufg.at[slot],
                              gsem).wait()
        pltpu.make_async_copy(k_hbm.at[sidx.at[slot]], bufk.at[slot],
                              gsem).wait()

    def w_start(i, slot):
        base = base0 + i * _GC
        pltpu.async_copy(bufg.at[slot], u_hbm.at[pl.ds(base, _GC)], wsem)

    def w_wait(i, slot):
        base = base0 + i * _GC
        pltpu.make_async_copy(bufg.at[slot], u_hbm.at[pl.ds(base, _GC)],
                              wsem).wait()

    idx_start(0, 0)
    idx_wait(0, 0)
    g_start(0)
    idx_start(1, 1)

    def step(i, carry):
        a = lax.rem(i, 2)
        b = 1 - a
        g_wait(a)

        @pl.when(i < _GCHUNKS - 1)
        def _():
            idx_wait(i + 1, b)

            @pl.when(i >= 1)
            def _():
                w_wait(i - 1, b)

            g_start(b)

            @pl.when(i + 2 < _GCHUNKS)
            def _():
                idx_start(i + 2, a)

        def row(r, c2):
            for cc in range(H // 16):
                sl = pl.ds(cc * 16, 16)
                bufg[a, r, sl] = bufg[a, r, sl] + bufk[a, r, sl]
            return c2

        lax.fori_loop(0, _GC, row, 0, unroll=4)
        w_start(i, a)
        return carry

    lax.fori_loop(0, _GCHUNKS, step, 0)
    w_wait(_GCHUNKS - 2, (_GCHUNKS - 2) % 2)
    w_wait(_GCHUNKS - 1, (_GCHUNKS - 1) % 2)



_BE = 512


def _edge_body(u_ref, ea_ref, wa_ref, be1_ref, we2_ref, be2_ref,
               winf_ref, binf_ref, w_ref):
    x1 = (u_ref[...]
          + jnp.dot(ea_ref[...], wa_ref[...], preferred_element_type=jnp.float32)
          + be1_ref[...])
    x1 = jnp.maximum(x1, 0.0)
    m = jnp.dot(x1, we2_ref[...], preferred_element_type=jnp.float32) + be2_ref[...]
    m = jnp.maximum(m, 0.0)
    logit = jnp.sum(m * winf_ref[...], axis=1, keepdims=True) + binf_ref[...]
    s = jax.nn.sigmoid(logit)
    w_ref[...] = m * s


def _edge_mlp(u, ea, wa, be1, we2, be2, winf_row, binf):
    grid = (E // _BE,)
    return pl.pallas_call(
        _edge_body,
        grid=grid,
        in_specs=[
            pl.BlockSpec((_BE, H), lambda i: (i, 0)),
            pl.BlockSpec((_BE, EF), lambda i: (i, 0)),
            pl.BlockSpec((EF, H), lambda i: (0, 0)),
            pl.BlockSpec((1, H), lambda i: (0, 0)),
            pl.BlockSpec((H, H), lambda i: (0, 0)),
            pl.BlockSpec((1, H), lambda i: (0, 0)),
            pl.BlockSpec((1, H), lambda i: (0, 0)),
            pl.BlockSpec((1, 1), lambda i: (0, 0)),
        ],
        out_specs=pl.BlockSpec((_BE, H), lambda i: (i, 0)),
        out_shape=jax.ShapeDtypeStruct((E, H), jnp.float32),
    )(u, ea, wa, be1, we2, be2, winf_row, binf)



_SCC = 80
_PER_T = E // NC // NS
_SCHUNKS = _PER_T // _SCC
_NPAD = 10240
_NPT = _NPAD // NS
_ZROWS = 128


@functools.cache
def _scatter_call():
    return pl.kernel(
        _scatter_body,
        out_type=jax.ShapeDtypeStruct((NC, _NPAD, H), jnp.float32),
        mesh=_sc_mesh(),
        scratch_types=[
            pltpu.VMEM((2, _SCC), jnp.int32),
            pltpu.VMEM((2, _SCC, H), jnp.float32),
            pltpu.VMEM((_ZROWS, H), jnp.float32),
            pltpu.VMEM_SHARED((_NPAD, H), jnp.float32),
            pltpu.SemaphoreType.DMA,
            pltpu.SemaphoreType.DMA,
        ],
    )


def _scatter_body(w_hbm, dst_hbm, out_hbm, idx2d, wbuf, zbuf, acc, lsem, ssem):
    c = lax.axis_index("c")
    s = lax.axis_index("s")

    def zrow(r, carry):
        for cc in range(H // 16):
            zbuf[r, pl.ds(cc * 16, 16)] = jnp.zeros((16,), jnp.float32)
        return carry

    lax.fori_loop(0, _ZROWS, zrow, 0)

    def zcopy(z, carry):
        pltpu.sync_copy(zbuf, acc.at[pl.ds(s * _NPT + z * _ZROWS, _ZROWS)])
        return carry

    lax.fori_loop(0, _NPT // _ZROWS, zcopy, 0)
    plsc.subcore_barrier()

    base0 = c * (E // NC) + s * _PER_T

    def l_start(i, slot):
        base = base0 + i * _SCC
        pltpu.async_copy(dst_hbm.at[pl.ds(base, _SCC)], idx2d.at[slot], lsem)
        pltpu.async_copy(w_hbm.at[pl.ds(base, _SCC)], wbuf.at[slot], lsem)

    def l_wait(i, slot):
        base = base0 + i * _SCC
        pltpu.make_async_copy(dst_hbm.at[pl.ds(base, _SCC)], idx2d.at[slot],
                              lsem).wait()
        pltpu.make_async_copy(w_hbm.at[pl.ds(base, _SCC)], wbuf.at[slot],
                              lsem).wait()

    def sc_start(slot):
        pltpu.async_copy(wbuf.at[slot], acc.at[idx2d.at[slot]], ssem, add=True)

    def sc_wait(slot):
        pltpu.make_async_copy(wbuf.at[slot], acc.at[idx2d.at[slot]],
                              ssem).wait()

    l_start(0, 0)

    def chunk(i, carry):
        a = lax.rem(i, 2)
        b = 1 - a
        l_wait(i, a)

        @pl.when(i >= 1)
        def _():
            sc_wait(b)

        @pl.when(i < _SCHUNKS - 1)
        def _():
            l_start(i + 1, b)

        sc_start(a)
        return carry

    lax.fori_loop(0, _SCHUNKS, chunk, 0)
    sc_wait((_SCHUNKS - 1) % 2)
    plsc.subcore_barrier()

    pltpu.sync_copy(acc.at[pl.ds(s * _NPT, _NPT)],
                    out_hbm.at[c, pl.ds(s * _NPT, _NPT)])




def _node_body(mi0_ref, mi1_ref, h_ref, wm_ref, wh_ref, bn1_ref, wn2_ref,
               bn2_ref, out_ref):
    mi = mi0_ref[...] + mi1_ref[...]
    z1 = (jnp.dot(mi, wm_ref[...], preferred_element_type=jnp.float32)
          + jnp.dot(h_ref[...], wh_ref[...], preferred_element_type=jnp.float32)
          + bn1_ref[...])
    z1 = jnp.maximum(z1, 0.0)
    out_ref[...] = (jnp.dot(z1, wn2_ref[...], preferred_element_type=jnp.float32)
                    + bn2_ref[...])


def _node_mlp(mi0, mi1, h, wm, wh, bn1, wn2, bn2):
    grid = (N // _BN,)
    return pl.pallas_call(
        _node_body,
        grid=grid,
        in_specs=[
            pl.BlockSpec((_BN, H), lambda i: (i, 0)),
            pl.BlockSpec((_BN, H), lambda i: (i, 0)),
            pl.BlockSpec((_BN, H), lambda i: (i, 0)),
            pl.BlockSpec((H, H), lambda i: (0, 0)),
            pl.BlockSpec((H, H), lambda i: (0, 0)),
            pl.BlockSpec((1, H), lambda i: (0, 0)),
            pl.BlockSpec((H, H), lambda i: (0, 0)),
            pl.BlockSpec((1, H), lambda i: (0, 0)),
        ],
        out_specs=pl.BlockSpec((_BN, H), lambda i: (i, 0)),
        out_shape=jax.ShapeDtypeStruct((N, H), jnp.float32),
    )(mi0, mi1, h, wm, wh, bn1, wn2, bn2)




def kernel(h, edge_index, edge_attr, W_e1, b_e1, W_e2, b_e2, W_inf, b_inf,
           W_n1, b_n1, W_n2, b_n2):
    dst = edge_index[0].astype(jnp.int32)
    src = edge_index[1].astype(jnp.int32)

    g, k = _proj(h, W_e1[EF:EF + H], W_e1[EF + H:])
    u = _gather_call()(g, k, dst, src)
    w = _edge_mlp(u, edge_attr, W_e1[:EF],
                  b_e1.reshape(1, H), W_e2, b_e2.reshape(1, H),
                  W_inf.reshape(1, H), b_inf.reshape(1, 1))
    mi2 = _scatter_call()(w, dst)
    out = _node_mlp(mi2[0], mi2[1], h, W_n1[:H], W_n1[H:],
                    b_n1.reshape(1, H), W_n2, b_n2.reshape(1, H))
    return out

# --- scband reference (transcript-rebuilt; emitter-appended) ---
"""Pipeline reference for scband-en-base-layer-29755533426952 (READ-ONLY COPY).

The authoritative reference and input builder live on the scoring server;
editing this copy changes nothing except your own understanding.
"""

import jax, jax.numpy as jnp
import numpy as np

N = 10000
E = 320000
H = 128
EF = 16

def setup_inputs(seed: int = 0) -> dict:
    key = jax.random.key(seed)
    ks = jax.random.split(key, 13)
    h = jax.random.normal(ks[0], (N, H), dtype=jnp.float32)
    edge_index = jax.random.randint(ks[1], (2, E), 0, N, dtype=jnp.int64)
    edge_attr = jax.random.normal(ks[2], (E, EF), dtype=jnp.float32)
    # edge_mlp: Linear(2H+EF -> H), ReLU, Linear(H -> H), ReLU (act_last=True, norm=False)
    W_e1 = jax.random.normal(ks[3], (2 * H + EF, H), dtype=jnp.float32) * 0.05
    b_e1 = jnp.zeros((H,), dtype=jnp.float32)
    W_e2 = jax.random.normal(ks[4], (H, H), dtype=jnp.float32) * 0.05
    b_e2 = jnp.zeros((H,), dtype=jnp.float32)
    # edge_inf: Linear(H -> 1), Sigmoid
    W_inf = jax.random.normal(ks[5], (H, 1), dtype=jnp.float32) * 0.05
    b_inf = jnp.zeros((1,), dtype=jnp.float32)
    # node_mlp: Linear(2H -> H), ReLU, Linear(H -> H)
    W_n1 = jax.random.normal(ks[6], (2 * H, H), dtype=jnp.float32) * 0.05
    b_n1 = jnp.zeros((H,), dtype=jnp.float32)
    W_n2 = jax.random.normal(ks[7], (H, H), dtype=jnp.float32) * 0.05
    b_n2 = jnp.zeros((H,), dtype=jnp.float32)
    return {"h": h, "edge_index": edge_index, "edge_attr": edge_attr,
            "W_e1": W_e1, "b_e1": b_e1, "W_e2": W_e2, "b_e2": b_e2,
            "W_inf": W_inf, "b_inf": b_inf,
            "W_n1": W_n1, "b_n1": b_n1, "W_n2": W_n2, "b_n2": b_n2}

def reference(h, edge_index, edge_attr, W_e1, b_e1, W_e2, b_e2, W_inf, b_inf, W_n1, b_n1, W_n2, b_n2):
    dst = edge_index[0]
    src = edge_index[1]
    hi = jnp.take(h, dst, axis=0)
    hj = jnp.take(h, src, axis=0)
    x = jnp.concatenate([edge_attr, hi, hj], axis=-1)
    mij = jax.nn.relu(x @ W_e1 + b_e1)
    mij = jax.nn.relu(mij @ W_e2 + b_e2)
    eij = jax.nn.sigmoid(mij @ W_inf + b_inf)
    mi = jax.ops.segment_sum(mij * eij, dst, num_segments=h.shape[0])
    z = jnp.concatenate([mi, h], axis=-1)
    out = jax.nn.relu(z @ W_n1 + b_n1) @ W_n2 + b_n2
    return out

if __name__ == "__main__":
    import jax
    _d = setup_inputs()
    print(jax.jit(kernel)(*tuple(_d.values())))

</pallas_src>

<mosaic_0001>
#map = affine_map<(d0, d1) -> (0, 0)>
#map1 = affine_map<(d0, d1) -> (0)>
#map2 = affine_map<(d0, d1) -> (0, 0, 0)>
module attributes {stable_mosaic.version = 14 : i64} {
  func.func @_scatter_body(%arg0: i32, %arg1: i32, %arg2: memref<320000x128xf32, #tpu.memory_space<hbm>>, %arg3: memref<320000xi32, #tpu.memory_space<hbm>>, %arg4: memref<2x10240x128xf32, #tpu.memory_space<hbm>>, %arg5: memref<2x80xi32, #tpu.memory_space<vmem>>, %arg6: memref<2x80x128xf32, #tpu.memory_space<vmem>>, %arg7: memref<128x128xf32, #tpu.memory_space<vmem>>, %arg8: memref<10240x128xf32, #tpu.memory_space<vmem_shared>>, %arg9: memref<!tpu.dma_semaphore, #tpu.memory_space<semaphore_mem>>, %arg10: memref<!tpu.dma_semaphore, #tpu.memory_space<semaphore_mem>>) attributes {dimension_semantics = [#tpu.dimension_semantics<core_parallel>, #tpu.dimension_semantics<subcore_parallel>], iteration_bounds = array<i64: 2, 16>, scalar_prefetch = 0 : i64, scratch_operands = 6 : i64, tpu.core_type = #tpu.core_type<sc_vector_subcore>, window_params = [{transform_indices = #map}, {transform_indices = #map1}, {transform_indices = #map2}]} {
    %scan3A = arith.constant 0 : i32
    %scan3A_0 = arith.constant 0 : i32
    %scan3A_1 = arith.constant 128 : i32
    %scan3A_2 = arith.addi %scan3A_0, %scan3A_1 : i32
    %scan3A_3 = arith.constant 1 : i32
    scf.for %scan3A_59 = %scan3A_0 to %scan3A_2 step %scan3A_3  : i32 {
      %broadcast_in_dim3A = arith.constant 0.000000e+00 : f32
      %broadcast_in_dim3A_60 = vector.broadcast %broadcast_in_dim3A : f32 to vector<16xf32>
      %swap3A = arith.index_cast %scan3A_59 : i32 to index
      %swap3A_61 = arith.constant 0 : index
      %swap3A_62 = tpu.vector_load %arg7[%swap3A, %swap3A_61] {strides = array<i32>} : memref<128x128xf32, #tpu.memory_space<vmem>>, vector<1x16xf32>,
      %swap3A_63 = vector.shape_cast %swap3A_62 : vector<1x16xf32> to vector<16xf32>
      %swap3A_64 = vector.shape_cast %broadcast_in_dim3A_60 : vector<16xf32> to vector<1x16xf32>
      tpu.vector_store %arg7[%swap3A, %swap3A_61], %swap3A_64 {strides = array<i32>} : memref<128x128xf32, #tpu.memory_space<vmem>>, vector<1x16xf32>,
      %broadcast_in_dim3A_65 = arith.constant 0.000000e+00 : f32
      %broadcast_in_dim3A_66 = vector.broadcast %broadcast_in_dim3A_65 : f32 to vector<16xf32>
      %swap3A_67 = arith.index_cast %scan3A_59 : i32 to index
      %swap3A_68 = arith.constant 16 : index
      %swap3A_69 = tpu.vector_load %arg7[%swap3A_67, %swap3A_68] {strides = array<i32>} : memref<128x128xf32, #tpu.memory_space<vmem>>, vector<1x16xf32>,
      %swap3A_70 = vector.shape_cast %swap3A_69 : vector<1x16xf32> to vector<16xf32>
      %swap3A_71 = vector.shape_cast %broadcast_in_dim3A_66 : vector<16xf32> to vector<1x16xf32>
      tpu.vector_store %arg7[%swap3A_67, %swap3A_68], %swap3A_71 {strides = array<i32>} : memref<128x128xf32, #tpu.memory_space<vmem>>, vector<1x16xf32>,
      %broadcast_in_dim3A_72 = arith.constant 0.000000e+00 : f32
      %broadcast_in_dim3A_73 = vector.broadcast %broadcast_in_dim3A_72 : f32 to vector<16xf32>
      %swap3A_74 = arith.index_cast %scan3A_59 : i32 to index
      %swap3A_75 = arith.constant 32 : index
      %swap3A_76 = tpu.vector_load %arg7[%swap3A_74, %swap3A_75] {strides = array<i32>} : memref<128x128xf32, #tpu.memory_space<vmem>>, vector<1x16xf32>,
      %swap3A_77 = vector.shape_cast %swap3A_76 : vector<1x16xf32> to vector<16xf32>
      %swap3A_78 = vector.shape_cast %broadcast_in_dim3A_73 : vector<16xf32> to vector<1x16xf32>
      tpu.vector_store %arg7[%swap3A_74, %swap3A_75], %swap3A_78 {strides = array<i32>} : memref<128x128xf32, #tpu.memory_space<vmem>>, vector<1x16xf32>,
      %broadcast_in_dim3A_79 = arith.constant 0.000000e+00 : f32
      %broadcast_in_dim3A_80 = vector.broadcast %broadcast_in_dim3A_79 : f32 to vector<16xf32>
      %swap3A_81 = arith.index_cast %scan3A_59 : i32 to index
      %swap3A_82 = arith.constant 48 : index
      %swap3A_83 = tpu.vector_load %arg7[%swap3A_81, %swap3A_82] {strides = array<i32>} : memref<128x128xf32, #tpu.memory_space<vmem>>, vector<1x16xf32>,
      %swap3A_84 = vector.shape_cast %swap3A_83 : vector<1x16xf32> to vector<16xf32>
      %swap3A_85 = vector.shape_cast %broadcast_in_dim3A_80 : vector<16xf32> to vector<1x16xf32>
      tpu.vector_store %arg7[%swap3A_81, %swap3A_82], %swap3A_85 {strides = array<i32>} : memref<128x128xf32, #tpu.memory_space<vmem>>, vector<1x16xf32>,
      %broadcast_in_dim3A_86 = arith.constant 0.000000e+00 : f32
      %broadcast_in_dim3A_87 = vector.broadcast %broadcast_in_dim3A_86 : f32 to vector<16xf32>
      %swap3A_88 = arith.index_cast %scan3A_59 : i32 to index
      %swap3A_89 = arith.constant 64 : index
      %swap3A_90 = tpu.vector_load %arg7[%swap3A_88, %swap3A_89] {strides = array<i32>} : memref<128x128xf32, #tpu.memory_space<vmem>>, vector<1x16xf32>,
      %swap3A_91 = vector.shape_cast %swap3A_90 : vector<1x16xf32> to vector<16xf32>
      %swap3A_92 = vector.shape_cast %broadcast_in_dim3A_87 : vector<16xf32> to vector<1x16xf32>
      tpu.vector_store %arg7[%swap3A_88, %swap3A_89], %swap3A_92 {strides = array<i32>} : memref<128x128xf32, #tpu.memory_space<vmem>>, vector<1x16xf32>,
      %broadcast_in_dim3A_93 = arith.constant 0.000000e+00 : f32
      %broadcast_in_dim3A_94 = vector.broadcast %broadcast_in_dim3A_93 : f32 to vector<16xf32>
      %swap3A_95 = arith.index_cast %scan3A_59 : i32 to index
      %swap3A_96 = arith.constant 80 : index
      %swap3A_97 = tpu.vector_load %arg7[%swap3A_95, %swap3A_96] {strides = array<i32>} : memref<128x128xf32, #tpu.memory_space<vmem>>, vector<1x16xf32>,
      %swap3A_98 = vector.shape_cast %swap3A_97 : vector<1x16xf32> to vector<16xf32>
      %swap3A_99 = vector.shape_cast %broadcast_in_dim3A_94 : vector<16xf32> to vector<1x16xf32>
      tpu.vector_store %arg7[%swap3A_95, %swap3A_96], %swap3A_99 {strides = array<i32>} : memref<128x128xf32, #tpu.memory_space<vmem>>, vector<1x16xf32>,
      %broadcast_in_dim3A_100 = arith.constant 0.000000e+00 : f32
      %broadcast_in_dim3A_101 = vector.broadcast %broadcast_in_dim3A_100 : f32 to vector<16xf32>
      %swap3A_102 = arith.index_cast %scan3A_59 : i32 to index
      %swap3A_103 = arith.constant 96 : index
      %swap3A_104 = tpu.vector_load %arg7[%swap3A_102, %swap3A_103] {strides = array<i32>} : memref<128x128xf32, #tpu.memory_space<vmem>>, vector<1x16xf32>,
      %swap3A_105 = vector.shape_cast %swap3A_104 : vector<1x16xf32> to vector<16xf32>
      %swap3A_106 = vector.shape_cast %broadcast_in_dim3A_101 : vector<16xf32> to vector<1x16xf32>
      tpu.vector_store %arg7[%swap3A_102, %swap3A_103], %swap3A_106 {strides = array<i32>} : memref<128x128xf32, #tpu.memory_space<vmem>>, vector<1x16xf32>,
      %broadcast_in_dim3A_107 = arith.constant 0.000000e+00 : f32
      %broadcast_in_dim3A_108 = vector.broadcast %broadcast_in_dim3A_107 : f32 to vector<16xf32>
      %swap3A_109 = arith.index_cast %scan3A_59 : i32 to index
      %swap3A_110 = arith.constant 112 : index
      %swap3A_111 = tpu.vector_load %arg7[%swap3A_109, %swap3A_110] {strides = array<i32>} : memref<128x128xf32, #tpu.memory_space<vmem>>, vector<1x16xf32>,
      %swap3A_112 = vector.shape_cast %swap3A_111 : vector<1x16xf32> to vector<16xf32>
      %swap3A_113 = vector.shape_cast %broadcast_in_dim3A_108 : vector<16xf32> to vector<1x16xf32>
      tpu.vector_store %arg7[%swap3A_109, %swap3A_110], %swap3A_113 {strides = array<i32>} : memref<128x128xf32, #tpu.memory_space<vmem>>, vector<1x16xf32>,
    }
    %scan3A_4 = arith.constant 128 : i32
    %scan3A_5 = arith.constant 0 : i32
    %scan3A_6 = arith.constant 0 : i32
    %scan3A_7 = arith.constant 5 : i32
    %scan3A_8 = arith.addi %scan3A_6, %scan3A_7 : i32
    %scan3A_9 = arith.constant 1 : i32
    scf.for %scan3A_59 = %scan3A_6 to %scan3A_8 step %scan3A_9  : i32 {
      %mul3A_60 = arith.constant 640 : i32
      %mul3A_61 = arith.muli %arg1, %mul3A_60 : i32
      %mul3A_62 = arith.constant 128 : i32
      %mul3A_63 = arith.muli %scan3A_59, %mul3A_62 : i32
      %add3A_64 = arith.addi %mul3A_61, %mul3A_63 : i32
      "tpu.region"() ({
        %run_scoped3A = tpu.sem_alloc : memref<!tpu.dma_semaphore, #tpu.memory_space<semaphore_mem>>
        %dma_start3A_65 = arith.constant 0 : i32
        %dma_start3A_66 = tpu.memref_slice %arg8[%add3A_64, %dma_start3A_65] : memref<10240x128xf32, #tpu.memory_space<vmem_shared>> -> memref<128x128xf32, #tpu.memory_space<vmem_shared>>
        %dma_start3A_67 = arith.constant 0 : i32
        %dma_start3A_68 = tpu.memref_slice %arg8[%add3A_64, %dma_start3A_67] : memref<10240x128xf32, #tpu.memory_space<vmem_shared>> -> memref<128x128xf32, #tpu.memory_space<vmem_shared>>
        tpu.enqueue_dma source(%arg7 : memref<128x128xf32, #tpu.memory_space<vmem>>) target(%dma_start3A_68 : memref<128x128xf32, #tpu.memory_space<vmem_shared>>) target_semaphore(%run_scoped3A : memref<!tpu.dma_semaphore, #tpu.memory_space<semaphore_mem>>)
        %dma_wait3A_69 = arith.constant 0 : i32
        %dma_wait3A_70 = tpu.memref_slice %arg8[%add3A_64, %dma_wait3A_69] : memref<10240x128xf32, #tpu.memory_space<vmem_shared>> -> memref<128x128xf32, #tpu.memory_space<vmem_shared>>
        %dma_wait3A_71 = arith.constant 0 : i32
        %dma_wait3A_72 = tpu.memref_slice %arg8[%add3A_64, %dma_wait3A_71] : memref<10240x128xf32, #tpu.memory_space<vmem_shared>> -> memref<128x128xf32, #tpu.memory_space<vmem_shared>>
        tpu.wait_dma2 semaphore(%run_scoped3A : memref<!tpu.dma_semaphore, #tpu.memory_space<semaphore_mem>>) src(%arg7 : memref<128x128xf32, #tpu.memory_space<vmem>>) dst(%dma_wait3A_72 : memref<128x128xf32, #tpu.memory_space<vmem_shared>>)
        tpu.yield
      }) : () -> ()
    }
    %scan3A_10 = arith.constant 5 : i32
    %barrier3A = arith.constant 0 : index
    tpu.barrier barrier_id(%barrier3A)
    %mul3A = arith.constant 160000 : i32
    %mul3A_11 = arith.muli %arg0, %mul3A : i32
    %mul3A_12 = arith.constant 10000 : i32
    %mul3A_13 = arith.muli %arg1, %mul3A_12 : i32
    %add3A = arith.addi %mul3A_11, %mul3A_13 : i32
    %add3A_14 = arith.constant 0 : i32
    %add3A_15 = arith.addi %add3A, %add3A_14 : i32
    %dma_start3A = arith.constant 0 : i32
    %dma_start3A_16 = arith.constant 0 : i32
    %dma_start3A_17 = tpu.memref_slice %arg5[%dma_start3A, %dma_start3A_16] : memref<2x80xi32, #tpu.memory_space<vmem>> -> memref<1x80xi32, #tpu.memory_space<vmem>>
    %dma_start3A_18 = tpu.memref_squeeze %dma_start3A_17 : memref<1x80xi32, #tpu.memory_space<vmem>> -> memref<80xi32, #tpu.memory_space<vmem>>
    %dma_start3A_19 = tpu.memref_slice %arg3[%add3A_15] : memref<320000xi32, #tpu.memory_space<hbm>> -> memref<80xi32, #tpu.memory_space<hbm>>
    %dma_start3A_20 = arith.constant 0 : i32
    %dma_start3A_21 = tpu.memref_slice %arg5[%dma_start3A, %dma_start3A_20] : memref<2x80xi32, #tpu.memory_space<vmem>> -> memref<1x80xi32, #tpu.memory_space<vmem>>
    %dma_start3A_22 = tpu.memref_squeeze %dma_start3A_21 : memref<1x80xi32, #tpu.memory_space<vmem>> -> memref<80xi32, #tpu.memory_space<vmem>>
    %dma_start3A_23 = tpu.memref_slice %arg3[%add3A_15] : memref<320000xi32, #tpu.memory_space<hbm>> -> memref<80xi32, #tpu.memory_space<hbm>>
    tpu.enqueue_dma source(%dma_start3A_23 : memref<80xi32, #tpu.memory_space<hbm>>) target(%dma_start3A_22 : memref<80xi32, #tpu.memory_space<vmem>>) target_semaphore(%arg9 : memref<!tpu.dma_semaphore, #tpu.memory_space<semaphore_mem>>)
    %dma_start3A_24 = arith.constant 0 : i32
    %dma_start3A_25 = arith.constant 0 : i32
    %dma_start3A_26 = arith.constant 0 : i32
    %dma_start3A_27 = tpu.memref_slice %arg6[%dma_start3A_24, %dma_start3A_25, %dma_start3A_26] : memref<2x80x128xf32, #tpu.memory_space<vmem>> -> memref<1x80x128xf32, #tpu.memory_space<vmem>>
    %dma_start3A_28 = tpu.memref_squeeze %dma_start3A_27 : memref<1x80x128xf32, #tpu.memory_space<vmem>> -> memref<80x128xf32, #tpu.memory_space<vmem>>
    %dma_start3A_29 = arith.constant 0 : i32
    %dma_start3A_30 = tpu.memref_slice %arg2[%add3A_15, %dma_start3A_29] : memref<320000x128xf32, #tpu.memory_space<hbm>> -> memref<80x128xf32, #tpu.memory_space<hbm>>
    %dma_start3A_31 = arith.constant 0 : i32
    %dma_start3A_32 = arith.constant 0 : i32
    %dma_start3A_33 = tpu.memref_slice %arg6[%dma_start3A_24, %dma_start3A_31, %dma_start3A_32] : memref<2x80x128xf32, #tpu.memory_space<vmem>> -> memref<1x80x128xf32, #tpu.memory_space<vmem>>
    %dma_start3A_34 = tpu.memref_squeeze %dma_start3A_33 : memref<1x80x128xf32, #tpu.memory_space<vmem>> -> memref<80x128xf32, #tpu.memory_space<vmem>>
    %dma_start3A_35 = arith.constant 0 : i32
    %dma_start3A_36 = tpu.memref_slice %arg2[%add3A_15, %dma_start3A_35] : memref<320000x128xf32, #tpu.memory_space<hbm>> -> memref<80x128xf32, #tpu.memory_space<hbm>>
    tpu.enqueue_dma source(%dma_start3A_36 : memref<80x128xf32, #tpu.memory_space<hbm>>) target(%dma_start3A_34 : memref<80x128xf32, #tpu.memory_space<vmem>>) target_semaphore(%arg9 : memref<!tpu.dma_semaphore, #tpu.memory_space<semaphore_mem>>)
    %scan3A_37 = arith.constant 0 : i32
    %scan3A_38 = arith.constant 0 : i32
    %scan3A_39 = arith.constant 125 : i32
    %scan3A_40 = arith.addi %scan3A_38, %scan3A_39 : i32
    %scan3A_41 = arith.constant 1 : i32
    scf.for %scan3A_59 = %scan3A_38 to %scan3A_40 step %scan3A_41  : i32 {
      %rem3A = arith.constant 2 : i32
      %rem3A_60 = arith.remsi %scan3A_59, %rem3A : i32
      %sub3A = arith.constant 1 : i32
      %sub3A_61 = arith.subi %sub3A, %rem3A_60 : i32
      %mul3A_62 = arith.constant 80 : i32
      %mul3A_63 = arith.muli %scan3A_59, %mul3A_62 : i32
      %add3A_64 = arith.addi %add3A, %mul3A_63 : i32
      %dma_wait3A_65 = arith.constant 0 : i32
      %dma_wait3A_66 = tpu.memref_slice %arg5[%rem3A_60, %dma_wait3A_65] : memref<2x80xi32, #tpu.memory_space<vmem>> -> memref<1x80xi32, #tpu.memory_space<vmem>>
      %dma_wait3A_67 = tpu.memref_squeeze %dma_wait3A_66 : memref<1x80xi32, #tpu.memory_space<vmem>> -> memref<80xi32, #tpu.memory_space<vmem>>
      %dma_wait3A_68 = tpu.memref_slice %arg3[%add3A_64] : memref<320000xi32, #tpu.memory_space<hbm>> -> memref<80xi32, #tpu.memory_space<hbm>>
      %dma_wait3A_69 = arith.constant 0 : i32
      %dma_wait3A_70 = tpu.memref_slice %arg5[%rem3A_60, %dma_wait3A_69] : memref<2x80xi32, #tpu.memory_space<vmem>> -> memref<1x80xi32, #tpu.memory_space<vmem>>
      %dma_wait3A_71 = tpu.memref_squeeze %dma_wait3A_70 : memref<1x80xi32, #tpu.memory_space<vmem>> -> memref<80xi32, #tpu.memory_space<vmem>>
      %dma_wait3A_72 = tpu.memref_slice %arg3[%add3A_64] : memref<320000xi32, #tpu.memory_space<hbm>> -> memref<80xi32, #tpu.memory_space<hbm>>
      tpu.wait_dma2 semaphore(%arg9 : memref<!tpu.dma_semaphore, #tpu.memory_space<semaphore_mem>>) src(%dma_wait3A_72 : memref<80xi32, #tpu.memory_space<hbm>>) dst(%dma_wait3A_71 : memref<80xi32, #tpu.memory_space<vmem>>)
      %dma_wait3A_73 = arith.constant 0 : i32
      %dma_wait3A_74 = arith.constant 0 : i32
      %dma_wait3A_75 = tpu.memref_slice %arg6[%rem3A_60, %dma_wait3A_73, %dma_wait3A_74] : memref<2x80x128xf32, #tpu.memory_space<vmem>> -> memref<1x80x128xf32, #tpu.memory_space<vmem>>
      %dma_wait3A_76 = tpu.memref_squeeze %dma_wait3A_75 : memref<1x80x128xf32, #tpu.memory_space<vmem>> -> memref<80x128xf32, #tpu.memory_space<vmem>>
      %dma_wait3A_77 = arith.constant 0 : i32
      %dma_wait3A_78 = tpu.memref_slice %arg2[%add3A_64, %dma_wait3A_77] : memref<320000x128xf32, #tpu.memory_space<hbm>> -> memref<80x128xf32, #tpu.memory_space<hbm>>
      %dma_wait3A_79 = arith.constant 0 : i32
      %dma_wait3A_80 = arith.constant 0 : i32
      %dma_wait3A_81 = tpu.memref_slice %arg6[%rem3A_60, %dma_wait3A_79, %dma_wait3A_80] : memref<2x80x128xf32, #tpu.memory_space<vmem>> -> memref<1x80x128xf32, #tpu.memory_space<vmem>>
      %dma_wait3A_82 = tpu.memref_squeeze %dma_wait3A_81 : memref<1x80x128xf32, #tpu.memory_space<vmem>> -> memref<80x128xf32, #tpu.memory_space<vmem>>
      %dma_wait3A_83 = arith.constant 0 : i32
      %dma_wait3A_84 = tpu.memref_slice %arg2[%add3A_64, %dma_wait3A_83] : memref<320000x128xf32, #tpu.memory_space<hbm>> -> memref<80x128xf32, #tpu.memory_space<hbm>>
      tpu.wait_dma2 semaphore(%arg9 : memref<!tpu.dma_semaphore, #tpu.memory_space<semaphore_mem>>) src(%dma_wait3A_84 : memref<80x128xf32, #tpu.memory_space<hbm>>) dst(%dma_wait3A_82 : memref<80x128xf32, #tpu.memory_space<vmem>>)
      %ge3A = arith.constant 1 : i32
      %ge3A_85 = arith.cmpi sge, %scan3A_59, %ge3A : i32
      %convert_element_type3A = arith.extui %ge3A_85 : i1 to i32
      %cond3A = arith.constant 0 : i32
      %cond3A_86 = arith.cmpi ne, %convert_element_type3A, %cond3A : i32
      scf.if %cond3A_86 {
        %dma_wait3A_101 = arith.constant 0 : i32
        %dma_wait3A_102 = arith.constant 0 : i32
        %dma_wait3A_103 = tpu.memref_slice %arg6[%sub3A_61, %dma_wait3A_101, %dma_wait3A_102] : memref<2x80x128xf32, #tpu.memory_space<vmem>> -> memref<1x80x128xf32, #tpu.memory_space<vmem>>
        %dma_wait3A_104 = tpu.memref_squeeze %dma_wait3A_103 : memref<1x80x128xf32, #tpu.memory_space<vmem>> -> memref<80x128xf32, #tpu.memory_space<vmem>>
        %dma_wait3A_105 = arith.constant 0 : i32
        %dma_wait3A_106 = tpu.memref_slice %arg5[%sub3A_61, %dma_wait3A_105] : memref<2x80xi32, #tpu.memory_space<vmem>> -> memref<1x80xi32, #tpu.memory_space<vmem>>
        %dma_wait3A_107 = tpu.memref_squeeze %dma_wait3A_106 : memref<1x80xi32, #tpu.memory_space<vmem>> -> memref<80xi32, #tpu.memory_space<vmem>>
        %dma_wait3A_108 = arith.constant 0 : i32
        %dma_wait3A_109 = arith.constant 0 : i32
        %dma_wait3A_110 = tpu.memref_slice %arg8[%dma_wait3A_108, %dma_wait3A_109] : memref<10240x128xf32, #tpu.memory_space<vmem_shared>> -> memref<10240x128xf32, #tpu.memory_space<vmem_shared>>
        tpu.wait_indirect_dma semaphore(%arg10 : memref<!tpu.dma_semaphore, #tpu.memory_space<semaphore_mem>>) src(%dma_wait3A_104 : memref<80x128xf32, #tpu.memory_space<vmem>>) dst(%dma_wait3A_110 : memref<10240x128xf32, #tpu.memory_space<vmem_shared>>)
      } else {
      }
      %lt3A = arith.constant 124 : i32
      %lt3A_87 = arith.cmpi slt, %scan3A_59, %lt3A : i32
      %convert_element_type3A_88 = arith.extui %lt3A_87 : i1 to i32
      %cond3A_89 = arith.constant 0 : i32
      %cond3A_90 = arith.cmpi ne, %convert_element_type3A_88, %cond3A_89 : i32
      scf.if %cond3A_90 {
        %add3A_101 = arith.constant 1 : i32
        %add3A_102 = arith.addi %scan3A_59, %add3A_101 : i32
        %mul3A_103 = arith.constant 80 : i32
        %mul3A_104 = arith.muli %add3A_102, %mul3A_103 : i32
        %add3A_105 = arith.addi %add3A, %mul3A_104 : i32
        %dma_start3A_106 = arith.constant 0 : i32
        %dma_start3A_107 = tpu.memref_slice %arg5[%sub3A_61, %dma_start3A_106] : memref<2x80xi32, #tpu.memory_space<vmem>> -> memref<1x80xi32, #tpu.memory_space<vmem>>
        %dma_start3A_108 = tpu.memref_squeeze %dma_start3A_107 : memref<1x80xi32, #tpu.memory_space<vmem>> -> memref<80xi32, #tpu.memory_space<vmem>>
        %dma_start3A_109 = tpu.memref_slice %arg3[%add3A_105] : memref<320000xi32, #tpu.memory_space<hbm>> -> memref<80xi32, #tpu.memory_space<hbm>>
        %dma_start3A_110 = arith.constant 0 : i32
        %dma_start3A_111 = tpu.memref_slice %arg5[%sub3A_61, %dma_start3A_110] : memref<2x80xi32, #tpu.memory_space<vmem>> -> memref<1x80xi32, #tpu.memory_space<vmem>>
        %dma_start3A_112 = tpu.memref_squeeze %dma_start3A_111 : memref<1x80xi32, #tpu.memory_space<vmem>> -> memref<80xi32, #tpu.memory_space<vmem>>
        %dma_start3A_113 = tpu.memref_slice %arg3[%add3A_105] : memref<320000xi32, #tpu.memory_space<hbm>> -> memref<80xi32, #tpu.memory_space<hbm>>
        tpu.enqueue_dma source(%dma_start3A_113 : memref<80xi32, #tpu.memory_space<hbm>>) target(%dma_start3A_112 : memref<80xi32, #tpu.memory_space<vmem>>) target_semaphore(%arg9 : memref<!tpu.dma_semaphore, #tpu.memory_space<semaphore_mem>>)
        %dma_start3A_114 = arith.constant 0 : i32
        %dma_start3A_115 = arith.constant 0 : i32
        %dma_start3A_116 = tpu.memref_slice %arg6[%sub3A_61, %dma_start3A_114, %dma_start3A_115] : memref<2x80x128xf32, #tpu.memory_space<vmem>> -> memref<1x80x128xf32, #tpu.memory_space<vmem>>
        %dma_start3A_117 = tpu.memref_squeeze %dma_start3A_116 : memref<1x80x128xf32, #tpu.memory_space<vmem>> -> memref<80x128xf32, #tpu.memory_space<vmem>>
        %dma_start3A_118 = arith.constant 0 : i32
        %dma_start3A_119 = tpu.memref_slice %arg2[%add3A_105, %dma_start3A_118] : memref<320000x128xf32, #tpu.memory_space<hbm>> -> memref<80x128xf32, #tpu.memory_space<hbm>>
        %dma_start3A_120 = arith.constant 0 : i32
        %dma_start3A_121 = arith.constant 0 : i32
        %dma_start3A_122 = tpu.memref_slice %arg6[%sub3A_61, %dma_start3A_120, %dma_start3A_121] : memref<2x80x128xf32, #tpu.memory_space<vmem>> -> memref<1x80x128xf32, #tpu.memory_space<vmem>>
        %dma_start3A_123 = tpu.memref_squeeze %dma_start3A_122 : memref<1x80x128xf32, #tpu.memory_space<vmem>> -> memref<80x128xf32, #tpu.memory_space<vmem>>
        %dma_start3A_124 = arith.constant 0 : i32
        %dma_start3A_125 = tpu.memref_slice %arg2[%add3A_105, %dma_start3A_124] : memref<320000x128xf32, #tpu.memory_space<hbm>> -> memref<80x128xf32, #tpu.memory_space<hbm>>
        tpu.enqueue_dma source(%dma_start3A_125 : memref<80x128xf32, #tpu.memory_space<hbm>>) target(%dma_start3A_123 : memref<80x128xf32, #tpu.memory_space<vmem>>) target_semaphore(%arg9 : memref<!tpu.dma_semaphore, #tpu.memory_space<semaphore_mem>>)
      } else {
      }
      %dma_start3A_91 = arith.constant 0 : i32
      %dma_start3A_92 = arith.constant 0 : i32
      %dma_start3A_93 = tpu.memref_slice %arg6[%rem3A_60, %dma_start3A_91, %dma_start3A_92] : memref<2x80x128xf32, #tpu.memory_space<vmem>> -> memref<1x80x128xf32, #tpu.memory_space<vmem>>
      %dma_start3A_94 = tpu.memref_squeeze %dma_start3A_93 : memref<1x80x128xf32, #tpu.memory_space<vmem>> -> memref<80x128xf32, #tpu.memory_space<vmem>>
      %dma_start3A_95 = arith.constant 0 : i32
      %dma_start3A_96 = tpu.memref_slice %arg5[%rem3A_60, %dma_start3A_95] : memref<2x80xi32, #tpu.memory_space<vmem>> -> memref<1x80xi32, #tpu.memory_space<vmem>>
      %dma_start3A_97 = tpu.memref_squeeze %dma_start3A_96 : memref<1x80xi32, #tpu.memory_space<vmem>> -> memref<80xi32, #tpu.memory_space<vmem>>
      %dma_start3A_98 = arith.constant 0 : i32
      %dma_start3A_99 = arith.constant 0 : i32
      %dma_start3A_100 = tpu.memref_slice %arg8[%dma_start3A_98, %dma_start3A_99] : memref<10240x128xf32, #tpu.memory_space<vmem_shared>> -> memref<10240x128xf32, #tpu.memory_space<vmem_shared>>
      tpu.enqueue_indirect_dma source(%dma_start3A_94 : memref<80x128xf32, #tpu.memory_space<vmem>>) target(%dma_start3A_100 : memref<10240x128xf32, #tpu.memory_space<vmem_shared>>) offsets(%dma_start3A_97 : memref<80xi32, #tpu.memory_space<vmem>>) semaphore(%arg10 : memref<!tpu.dma_semaphore, #tpu.memory_space<semaphore_mem>>) {add = true}
    }
    %scan3A_42 = arith.constant 125 : i32
    %dma_wait3A = arith.constant 0 : i32
    %dma_wait3A_43 = arith.constant 0 : i32
    %dma_wait3A_44 = arith.constant 0 : i32
    %dma_wait3A_45 = arith.constant 0 : i32
    %dma_wait3A_46 = tpu.memref_slice %arg6[%dma_wait3A, %dma_wait3A_44, %dma_wait3A_45] : memref<2x80x128xf32, #tpu.memory_space<vmem>> -> memref<1x80x128xf32, #tpu.memory_space<vmem>>
    %dma_wait3A_47 = tpu.memref_squeeze %dma_wait3A_46 : memref<1x80x128xf32, #tpu.memory_space<vmem>> -> memref<80x128xf32, #tpu.memory_space<vmem>>
    %dma_wait3A_48 = arith.constant 0 : i32
    %dma_wait3A_49 = tpu.memref_slice %arg5[%dma_wait3A_43, %dma_wait3A_48] : memref<2x80xi32, #tpu.memory_space<vmem>> -> memref<1x80xi32, #tpu.memory_space<vmem>>
    %dma_wait3A_50 = tpu.memref_squeeze %dma_wait3A_49 : memref<1x80xi32, #tpu.memory_space<vmem>> -> memref<80xi32, #tpu.memory_space<vmem>>
    %dma_wait3A_51 = arith.constant 0 : i32
    %dma_wait3A_52 = arith.constant 0 : i32
    %dma_wait3A_53 = tpu.memref_slice %arg8[%dma_wait3A_51, %dma_wait3A_52] : memref<10240x128xf32, #tpu.memory_space<vmem_shared>> -> memref<10240x128xf32, #tpu.memory_space<vmem_shared>>
    tpu.wait_indirect_dma semaphore(%arg10 : memref<!tpu.dma_semaphore, #tpu.memory_space<semaphore_mem>>) src(%dma_wait3A_47 : memref<80x128xf32, #tpu.memory_space<vmem>>) dst(%dma_wait3A_53 : memref<10240x128xf32, #tpu.memory_space<vmem_shared>>)
    %barrier3A_54 = arith.constant 0 : index
    tpu.barrier barrier_id(%barrier3A_54)
    %mul3A_55 = arith.constant 640 : i32
    %mul3A_56 = arith.muli %arg1, %mul3A_55 : i32
    %mul3A_57 = arith.constant 640 : i32
    %mul3A_58 = arith.muli %arg1, %mul3A_57 : i32
    "tpu.region"() ({
      %run_scoped3A = tpu.sem_alloc : memref<!tpu.dma_semaphore, #tpu.memory_space<semaphore_mem>>
      %dma_start3A_59 = arith.constant 0 : i32
      %dma_start3A_60 = tpu.memref_slice %arg4[%arg0, %mul3A_58, %dma_start3A_59] : memref<2x10240x128xf32, #tpu.memory_space<hbm>> -> memref<1x640x128xf32, #tpu.memory_space<hbm>>
      %dma_start3A_61 = tpu.memref_squeeze %dma_start3A_60 : memref<1x640x128xf32, #tpu.memory_space<hbm>> -> memref<640x128xf32, #tpu.memory_space<hbm>>
      %dma_start3A_62 = arith.constant 0 : i32
      %dma_start3A_63 = tpu.memref_slice %arg8[%mul3A_56, %dma_start3A_62] : memref<10240x128xf32, #tpu.memory_space<vmem_shared>> -> memref<640x128xf32, #tpu.memory_space<vmem_shared>>
      tpu.enqueue_dma source(%dma_start3A_63 : memref<640x128xf32, #tpu.memory_space<vmem_shared>>) target(%dma_start3A_61 : memref<640x128xf32, #tpu.memory_space<hbm>>) target_semaphore(%run_scoped3A : memref<!tpu.dma_semaphore, #tpu.memory_space<semaphore_mem>>)
      %dma_wait3A_64 = arith.constant 0 : i32
      %dma_wait3A_65 = tpu.memref_slice %arg4[%arg0, %mul3A_58, %dma_wait3A_64] : memref<2x10240x128xf32, #tpu.memory_space<hbm>> -> memref<1x640x128xf32, #tpu.memory_space<hbm>>
      %dma_wait3A_66 = tpu.memref_squeeze %dma_wait3A_65 : memref<1x640x128xf32, #tpu.memory_space<hbm>> -> memref<640x128xf32, #tpu.memory_space<hbm>>
      %dma_wait3A_67 = arith.constant 0 : i32
      %dma_wait3A_68 = tpu.memref_slice %arg8[%mul3A_56, %dma_wait3A_67] : memref<10240x128xf32, #tpu.memory_space<vmem_shared>> -> memref<640x128xf32, #tpu.memory_space<vmem_shared>>
      tpu.wait_dma2 semaphore(%run_scoped3A : memref<!tpu.dma_semaphore, #tpu.memory_space<semaphore_mem>>) src(%dma_wait3A_68 : memref<640x128xf32, #tpu.memory_space<vmem_shared>>) dst(%dma_wait3A_66 : memref<640x128xf32, #tpu.memory_space<hbm>>)
      tpu.yield
    }) : () -> ()
    return
  }
}

#map = affine_map<(d0, d1) -> (0, 0)>
#map1 = affine_map<(d0, d1) -> (0)>
module attributes {stable_mosaic.version = 14 : i64} {
  func.func @_gather_body(%arg0: i32, %arg1: i32, %arg2: memref<10000x128xf32, #tpu.memory_space<hbm>>, %arg3: memref<10000x128xf32, #tpu.memory_space<hbm>>, %arg4: memref<320000xi32, #tpu.memory_space<hbm>>, %arg5: memref<320000xi32, #tpu.memory_space<hbm>>, %arg6: memref<320000x128xf32, #tpu.memory_space<hbm>>, %arg7: memref<2x80xi32, #tpu.memory_space<vmem>>, %arg8: memref<2x80xi32, #tpu.memory_space<vmem>>, %arg9: memref<2x80x128xf32, #tpu.memory_space<vmem>>, %arg10: memref<2x80x128xf32, #tpu.memory_space<vmem>>, %arg11: memref<!tpu.dma_semaphore, #tpu.memory_space<semaphore_mem>>, %arg12: memref<!tpu.dma_semaphore, #tpu.memory_space<semaphore_mem>>, %arg13: memref<!tpu.dma_semaphore, #tpu.memory_space<semaphore_mem>>) attributes {dimension_semantics = [#tpu.dimension_semantics<core_parallel>, #tpu.dimension_semantics<subcore_parallel>], iteration_bounds = array<i64: 2, 16>, scalar_prefetch = 0 : i64, scratch_operands = 7 : i64, tpu.core_type = #tpu.core_type<sc_vector_subcore>, window_params = [{transform_indices = #map}, {transform_indices = #map}, {transform_indices = #map1}, {transform_indices = #map1}, {transform_indices = #map}]} {
    %mul3A = arith.constant 2 : i32
    %mul3A_0 = arith.muli %arg1, %mul3A : i32
    %add3A = arith.addi %mul3A_0, %arg0 : i32
    %mul3A_1 = arith.constant 10000 : i32
    %mul3A_2 = arith.muli %add3A, %mul3A_1 : i32
    %add3A_3 = arith.constant 0 : i32
    %add3A_4 = arith.addi %mul3A_2, %add3A_3 : i32
    %dma_start3A = arith.constant 0 : i32
    %dma_start3A_5 = arith.constant 0 : i32
    %dma_start3A_6 = tpu.memref_slice %arg7[%dma_start3A, %dma_start3A_5] : memref<2x80xi32, #tpu.memory_space<vmem>> -> memref<1x80xi32, #tpu.memory_space<vmem>>
    %dma_start3A_7 = tpu.memref_squeeze %dma_start3A_6 : memref<1x80xi32, #tpu.memory_space<vmem>> -> memref<80xi32, #tpu.memory_space<vmem>>
    %dma_start3A_8 = tpu.memref_slice %arg4[%add3A_4] : memref<320000xi32, #tpu.memory_space<hbm>> -> memref<80xi32, #tpu.memory_space<hbm>>
    %dma_start3A_9 = arith.constant 0 : i32
    %dma_start3A_10 = tpu.memref_slice %arg7[%dma_start3A, %dma_start3A_9] : memref<2x80xi32, #tpu.memory_space<vmem>> -> memref<1x80xi32, #tpu.memory_space<vmem>>
    %dma_start3A_11 = tpu.memref_squeeze %dma_start3A_10 : memref<1x80xi32, #tpu.memory_space<vmem>> -> memref<80xi32, #tpu.memory_space<vmem>>
    %dma_start3A_12 = tpu.memref_slice %arg4[%add3A_4] : memref<320000xi32, #tpu.memory_space<hbm>> -> memref<80xi32, #tpu.memory_space<hbm>>
    tpu.enqueue_dma source(%dma_start3A_12 : memref<80xi32, #tpu.memory_space<hbm>>) target(%dma_start3A_11 : memref<80xi32, #tpu.memory_space<vmem>>) target_semaphore(%arg11 : memref<!tpu.dma_semaphore, #tpu.memory_space<semaphore_mem>>)
    %dma_start3A_13 = arith.constant 0 : i32
    %dma_start3A_14 = arith.constant 0 : i32
    %dma_start3A_15 = tpu.memref_slice %arg8[%dma_start3A_13, %dma_start3A_14] : memref<2x80xi32, #tpu.memory_space<vmem>> -> memref<1x80xi32, #tpu.memory_space<vmem>>
    %dma_start3A_16 = tpu.memref_squeeze %dma_start3A_15 : memref<1x80xi32, #tpu.memory_space<vmem>> -> memref<80xi32, #tpu.memory_space<vmem>>
    %dma_start3A_17 = tpu.memref_slice %arg5[%add3A_4] : memref<320000xi32, #tpu.memory_space<hbm>> -> memref<80xi32, #tpu.memory_space<hbm>>
    %dma_start3A_18 = arith.constant 0 : i32
    %dma_start3A_19 = tpu.memref_slice %arg8[%dma_start3A_13, %dma_start3A_18] : memref<2x80xi32, #tpu.memory_space<vmem>> -> memref<1x80xi32, #tpu.memory_space<vmem>>
    %dma_start3A_20 = tpu.memref_squeeze %dma_start3A_19 : memref<1x80xi32, #tpu.memory_space<vmem>> -> memref<80xi32, #tpu.memory_space<vmem>>
    %dma_start3A_21 = tpu.memref_slice %arg5[%add3A_4] : memref<320000xi32, #tpu.memory_space<hbm>> -> memref<80xi32, #tpu.memory_space<hbm>>
    tpu.enqueue_dma source(%dma_start3A_21 : memref<80xi32, #tpu.memory_space<hbm>>) target(%dma_start3A_20 : memref<80xi32, #tpu.memory_space<vmem>>) target_semaphore(%arg11 : memref<!tpu.dma_semaphore, #tpu.memory_space<semaphore_mem>>)
    %add3A_22 = arith.constant 0 : i32
    %add3A_23 = arith.addi %mul3A_2, %add3A_22 : i32
    %dma_wait3A = arith.constant 0 : i32
    %dma_wait3A_24 = arith.constant 0 : i32
    %dma_wait3A_25 = tpu.memref_slice %arg7[%dma_wait3A, %dma_wait3A_24] : memref<2x80xi32, #tpu.memory_space<vmem>> -> memref<1x80xi32, #tpu.memory_space<vmem>>
    %dma_wait3A_26 = tpu.memref_squeeze %dma_wait3A_25 : memref<1x80xi32, #tpu.memory_space<vmem>> -> memref<80xi32, #tpu.memory_space<vmem>>
    %dma_wait3A_27 = tpu.memref_slice %arg4[%add3A_23] : memref<320000xi32, #tpu.memory_space<hbm>> -> memref<80xi32, #tpu.memory_space<hbm>>
    %dma_wait3A_28 = arith.constant 0 : i32
    %dma_wait3A_29 = tpu.memref_slice %arg7[%dma_wait3A, %dma_wait3A_28] : memref<2x80xi32, #tpu.memory_space<vmem>> -> memref<1x80xi32, #tpu.memory_space<vmem>>
    %dma_wait3A_30 = tpu.memref_squeeze %dma_wait3A_29 : memref<1x80xi32, #tpu.memory_space<vmem>> -> memref<80xi32, #tpu.memory_space<vmem>>
    %dma_wait3A_31 = tpu.memref_slice %arg4[%add3A_23] : memref<320000xi32, #tpu.memory_space<hbm>> -> memref<80xi32, #tpu.memory_space<hbm>>
    tpu.wait_dma2 semaphore(%arg11 : memref<!tpu.dma_semaphore, #tpu.memory_space<semaphore_mem>>) src(%dma_wait3A_31 : memref<80xi32, #tpu.memory_space<hbm>>) dst(%dma_wait3A_30 : memref<80xi32, #tpu.memory_space<vmem>>)
    %dma_wait3A_32 = arith.constant 0 : i32
    %dma_wait3A_33 = arith.constant 0 : i32
    %dma_wait3A_34 = tpu.memref_slice %arg8[%dma_wait3A_32, %dma_wait3A_33] : memref<2x80xi32, #tpu.memory_space<vmem>> -> memref<1x80xi32, #tpu.memory_space<vmem>>
    %dma_wait3A_35 = tpu.memref_squeeze %dma_wait3A_34 : memref<1x80xi32, #tpu.memory_space<vmem>> -> memref<80xi32, #tpu.memory_space<vmem>>
    %dma_wait3A_36 = tpu.memref_slice %arg5[%add3A_23] : memref<320000xi32, #tpu.memory_space<hbm>> -> memref<80xi32, #tpu.memory_space<hbm>>
    %dma_wait3A_37 = arith.constant 0 : i32
    %dma_wait3A_38 = tpu.memref_slice %arg8[%dma_wait3A_32, %dma_wait3A_37] : memref<2x80xi32, #tpu.memory_space<vmem>> -> memref<1x80xi32, #tpu.memory_space<vmem>>
    %dma_wait3A_39 = tpu.memref_squeeze %dma_wait3A_38 : memref<1x80xi32, #tpu.memory_space<vmem>> -> memref<80xi32, #tpu.memory_space<vmem>>
    %dma_wait3A_40 = tpu.memref_slice %arg5[%add3A_23] : memref<320000xi32, #tpu.memory_space<hbm>> -> memref<80xi32, #tpu.memory_space<hbm>>
    tpu.wait_dma2 semaphore(%arg11 : memref<!tpu.dma_semaphore, #tpu.memory_space<semaphore_mem>>) src(%dma_wait3A_40 : memref<80xi32, #tpu.memory_space<hbm>>) dst(%dma_wait3A_39 : memref<80xi32, #tpu.memory_space<vmem>>)
    %dma_start3A_41 = arith.constant 0 : i32
    %dma_start3A_42 = arith.constant 0 : i32
    %dma_start3A_43 = arith.constant 0 : i32
    %dma_start3A_44 = arith.constant 0 : i32
    %dma_start3A_45 = tpu.memref_slice %arg9[%dma_start3A_42, %dma_start3A_43, %dma_start3A_44] : memref<2x80x128xf32, #tpu.memory_space<vmem>> -> memref<1x80x128xf32, #tpu.memory_space<vmem>>
    %dma_start3A_46 = tpu.memref_squeeze %dma_start3A_45 : memref<1x80x128xf32, #tpu.memory_space<vmem>> -> memref<80x128xf32, #tpu.memory_space<vmem>>
    %dma_start3A_47 = arith.constant 0 : i32
    %dma_start3A_48 = tpu.memref_slice %arg7[%dma_start3A_41, %dma_start3A_47] : memref<2x80xi32, #tpu.memory_space<vmem>> -> memref<1x80xi32, #tpu.memory_space<vmem>>
    %dma_start3A_49 = tpu.memref_squeeze %dma_start3A_48 : memref<1x80xi32, #tpu.memory_space<vmem>> -> memref<80xi32, #tpu.memory_space<vmem>>
    %dma_start3A_50 = arith.constant 0 : i32
    %dma_start3A_51 = arith.constant 0 : i32
    %dma_start3A_52 = tpu.memref_slice %arg2[%dma_start3A_50, %dma_start3A_51] : memref<10000x128xf32, #tpu.memory_space<hbm>> -> memref<10000x128xf32, #tpu.memory_space<hbm>>
    tpu.enqueue_indirect_dma source(%dma_start3A_52 : memref<10000x128xf32, #tpu.memory_space<hbm>>) target(%dma_start3A_46 : memref<80x128xf32, #tpu.memory_space<vmem>>) offsets(%dma_start3A_49 : memref<80xi32, #tpu.memory_space<vmem>>) semaphore(%arg12 : memref<!tpu.dma_semaphore, #tpu.memory_space<semaphore_mem>>)
    %dma_start3A_53 = arith.constant 0 : i32
    %dma_start3A_54 = arith.constant 0 : i32
    %dma_start3A_55 = arith.constant 0 : i32
    %dma_start3A_56 = arith.constant 0 : i32
    %dma_start3A_57 = tpu.memref_slice %arg10[%dma_start3A_54, %dma_start3A_55, %dma_start3A_56] : memref<2x80x128xf32, #tpu.memory_space<vmem>> -> memref<1x80x128xf32, #tpu.memory_space<vmem>>
    %dma_start3A_58 = tpu.memref_squeeze %dma_start3A_57 : memref<1x80x128xf32, #tpu.memory_space<vmem>> -> memref<80x128xf32, #tpu.memory_space<vmem>>
    %dma_start3A_59 = arith.constant 0 : i32
    %dma_start3A_60 = tpu.memref_slice %arg8[%dma_start3A_53, %dma_start3A_59] : memref<2x80xi32, #tpu.memory_space<vmem>> -> memref<1x80xi32, #tpu.memory_space<vmem>>
    %dma_start3A_61 = tpu.memref_squeeze %dma_start3A_60 : memref<1x80xi32, #tpu.memory_space<vmem>> -> memref<80xi32, #tpu.memory_space<vmem>>
    %dma_start3A_62 = arith.constant 0 : i32
    %dma_start3A_63 = arith.constant 0 : i32
    %dma_start3A_64 = tpu.memref_slice %arg3[%dma_start3A_62, %dma_start3A_63] : memref<10000x128xf32, #tpu.memory_space<hbm>> -> memref<10000x128xf32, #tpu.memory_space<hbm>>
    tpu.enqueue_indirect_dma source(%dma_start3A_64 : memref<10000x128xf32, #tpu.memory_space<hbm>>) target(%dma_start3A_58 : memref<80x128xf32, #tpu.memory_space<vmem>>) offsets(%dma_start3A_61 : memref<80xi32, #tpu.memory_space<vmem>>) semaphore(%arg12 : memref<!tpu.dma_semaphore, #tpu.memory_space<semaphore_mem>>)
    %add3A_65 = arith.constant 80 : i32
    %add3A_66 = arith.addi %mul3A_2, %add3A_65 : i32
    %dma_start3A_67 = arith.constant 1 : i32
    %dma_start3A_68 = arith.constant 0 : i32
    %dma_start3A_69 = tpu.memref_slice %arg7[%dma_start3A_67, %dma_start3A_68] : memref<2x80xi32, #tpu.memory_space<vmem>> -> memref<1x80xi32, #tpu.memory_space<vmem>>
    %dma_start3A_70 = tpu.memref_squeeze %dma_start3A_69 : memref<1x80xi32, #tpu.memory_space<vmem>> -> memref<80xi32, #tpu.memory_space<vmem>>
    %dma_start3A_71 = tpu.memref_slice %arg4[%add3A_66] : memref<320000xi32, #tpu.memory_space<hbm>> -> memref<80xi32, #tpu.memory_space<hbm>>
    %dma_start3A_72 = arith.constant 0 : i32
    %dma_start3A_73 = tpu.memref_slice %arg7[%dma_start3A_67, %dma_start3A_72] : memref<2x80xi32, #tpu.memory_space<vmem>> -> memref<1x80xi32, #tpu.memory_space<vmem>>
    %dma_start3A_74 = tpu.memref_squeeze %dma_start3A_73 : memref<1x80xi32, #tpu.memory_space<vmem>> -> memref<80xi32, #tpu.memory_space<vmem>>
    %dma_start3A_75 = tpu.memref_slice %arg4[%add3A_66] : memref<320000xi32, #tpu.memory_space<hbm>> -> memref<80xi32, #tpu.memory_space<hbm>>
    tpu.enqueue_dma source(%dma_start3A_75 : memref<80xi32, #tpu.memory_space<hbm>>) target(%dma_start3A_74 : memref<80xi32, #tpu.memory_space<vmem>>) target_semaphore(%arg11 : memref<!tpu.dma_semaphore, #tpu.memory_space<semaphore_mem>>)
    %dma_start3A_76 = arith.constant 1 : i32
    %dma_start3A_77 = arith.constant 0 : i32
    %dma_start3A_78 = tpu.memref_slice %arg8[%dma_start3A_76, %dma_start3A_77] : memref<2x80xi32, #tpu.memory_space<vmem>> -> memref<1x80xi32, #tpu.memory_space<vmem>>
    %dma_start3A_79 = tpu.memref_squeeze %dma_start3A_78 : memref<1x80xi32, #tpu.memory_space<vmem>> -> memref<80xi32, #tpu.memory_space<vmem>>
    %dma_start3A_80 = tpu.memref_slice %arg5[%add3A_66] : memref<320000xi32, #tpu.memory_space<hbm>> -> memref<80xi32, #tpu.memory_space<hbm>>
    %dma_start3A_81 = arith.constant 0 : i32
    %dma_start3A_82 = tpu.memref_slice %arg8[%dma_start3A_76, %dma_start3A_81] : memref<2x80xi32, #tpu.memory_space<vmem>> -> memref<1x80xi32, #tpu.memory_space<vmem>>
    %dma_start3A_83 = tpu.memref_squeeze %dma_start3A_82 : memref<1x80xi32, #tpu.memory_space<vmem>> -> memref<80xi32, #tpu.memory_space<vmem>>
    %dma_start3A_84 = tpu.memref_slice %arg5[%add3A_66] : memref<320000xi32, #tpu.memory_space<hbm>> -> memref<80xi32, #tpu.memory_space<hbm>>
    tpu.enqueue_dma source(%dma_start3A_84 : memref<80xi32, #tpu.memory_space<hbm>>) target(%dma_start3A_83 : memref<80xi32, #tpu.memory_space<vmem>>) target_semaphore(%arg11 : memref<!tpu.dma_semaphore, #tpu.memory_space<semaphore_mem>>)
    %scan3A = arith.constant 0 : i32
    %scan3A_85 = arith.constant 0 : i32
    %scan3A_86 = arith.constant 125 : i32
    %scan3A_87 = arith.addi %scan3A_85, %scan3A_86 : i32
    %scan3A_88 = arith.constant 1 : i32
    scf.for %scan3A_120 = %scan3A_85 to %scan3A_87 step %scan3A_88  : i32 {
      %rem3A = arith.constant 2 : i32
      %rem3A_121 = arith.remsi %scan3A_120, %rem3A : i32
      %sub3A = arith.constant 1 : i32
      %sub3A_122 = arith.subi %sub3A, %rem3A_121 : i32
      %dma_wait3A_123 = arith.constant 0 : i32
      %dma_wait3A_124 = arith.constant 0 : i32
      %dma_wait3A_125 = tpu.memref_slice %arg9[%rem3A_121, %dma_wait3A_123, %dma_wait3A_124] : memref<2x80x128xf32, #tpu.memory_space<vmem>> -> memref<1x80x128xf32, #tpu.memory_space<vmem>>
      %dma_wait3A_126 = tpu.memref_squeeze %dma_wait3A_125 : memref<1x80x128xf32, #tpu.memory_space<vmem>> -> memref<80x128xf32, #tpu.memory_space<vmem>>
      %dma_wait3A_127 = arith.constant 0 : i32
      %dma_wait3A_128 = tpu.memref_slice %arg7[%rem3A_121, %dma_wait3A_127] : memref<2x80xi32, #tpu.memory_space<vmem>> -> memref<1x80xi32, #tpu.memory_space<vmem>>
      %dma_wait3A_129 = tpu.memref_squeeze %dma_wait3A_128 : memref<1x80xi32, #tpu.memory_space<vmem>> -> memref<80xi32, #tpu.memory_space<vmem>>
      %dma_wait3A_130 = arith.constant 0 : i32
      %dma_wait3A_131 = arith.constant 0 : i32
      %dma_wait3A_132 = tpu.memref_slice %arg2[%dma_wait3A_130, %dma_wait3A_131] : memref<10000x128xf32, #tpu.memory_space<hbm>> -> memref<10000x128xf32, #tpu.memory_space<hbm>>
      tpu.wait_indirect_dma semaphore(%arg12 : memref<!tpu.dma_semaphore, #tpu.memory_space<semaphore_mem>>) src(%dma_wait3A_132 : memref<10000x128xf32, #tpu.memory_space<hbm>>) dst(%dma_wait3A_126 : memref<80x128xf32, #tpu.memory_space<vmem>>)
      %dma_wait3A_133 = arith.constant 0 : i32
      %dma_wait3A_134 = arith.constant 0 : i32
      %dma_wait3A_135 = tpu.memref_slice %arg10[%rem3A_121, %dma_wait3A_133, %dma_wait3A_134] : memref<2x80x128xf32, #tpu.memory_space<vmem>> -> memref<1x80x128xf32, #tpu.memory_space<vmem>>
      %dma_wait3A_136 = tpu.memref_squeeze %dma_wait3A_135 : memref<1x80x128xf32, #tpu.memory_space<vmem>> -> memref<80x128xf32, #tpu.memory_space<vmem>>
      %dma_wait3A_137 = arith.constant 0 : i32
      %dma_wait3A_138 = tpu.memref_slice %arg8[%rem3A_121, %dma_wait3A_137] : memref<2x80xi32, #tpu.memory_space<vmem>> -> memref<1x80xi32, #tpu.memory_space<vmem>>
      %dma_wait3A_139 = tpu.memref_squeeze %dma_wait3A_138 : memref<1x80xi32, #tpu.memory_space<vmem>> -> memref<80xi32, #tpu.memory_space<vmem>>
      %dma_wait3A_140 = arith.constant 0 : i32
      %dma_wait3A_141 = arith.constant 0 : i32
      %dma_wait3A_142 = tpu.memref_slice %arg3[%dma_wait3A_140, %dma_wait3A_141] : memref<10000x128xf32, #tpu.memory_space<hbm>> -> memref<10000x128xf32, #tpu.memory_space<hbm>>
      tpu.wait_indirect_dma semaphore(%arg12 : memref<!tpu.dma_semaphore, #tpu.memory_space<semaphore_mem>>) src(%dma_wait3A_142 : memref<10000x128xf32, #tpu.memory_space<hbm>>) dst(%dma_wait3A_136 : memref<80x128xf32, #tpu.memory_space<vmem>>)
      %lt3A = arith.constant 124 : i32
      %lt3A_143 = arith.cmpi slt, %scan3A_120, %lt3A : i32
      %convert_element_type3A = arith.extui %lt3A_143 : i1 to i32
      %cond3A = arith.constant 0 : i32
      %cond3A_144 = arith.cmpi ne, %convert_element_type3A, %cond3A : i32
      scf.if %cond3A_144 {
        %add3A_166 = arith.constant 1 : i32
        %add3A_167 = arith.addi %scan3A_120, %add3A_166 : i32
        %mul3A_168 = arith.constant 80 : i32
        %mul3A_169 = arith.muli %add3A_167, %mul3A_168 : i32
        %add3A_170 = arith.addi %mul3A_2, %mul3A_169 : i32
        %dma_wait3A_171 = arith.constant 0 : i32
        %dma_wait3A_172 = tpu.memref_slice %arg7[%sub3A_122, %dma_wait3A_171] : memref<2x80xi32, #tpu.memory_space<vmem>> -> memref<1x80xi32, #tpu.memory_space<vmem>>
        %dma_wait3A_173 = tpu.memref_squeeze %dma_wait3A_172 : memref<1x80xi32, #tpu.memory_space<vmem>> -> memref<80xi32, #tpu.memory_space<vmem>>
        %dma_wait3A_174 = tpu.memref_slice %arg4[%add3A_170] : memref<320000xi32, #tpu.memory_space<hbm>> -> memref<80xi32, #tpu.memory_space<hbm>>
        %dma_wait3A_175 = arith.constant 0 : i32
        %dma_wait3A_176 = tpu.memref_slice %arg7[%sub3A_122, %dma_wait3A_175] : memref<2x80xi32, #tpu.memory_space<vmem>> -> memref<1x80xi32, #tpu.memory_space<vmem>>
        %dma_wait3A_177 = tpu.memref_squeeze %dma_wait3A_176 : memref<1x80xi32, #tpu.memory_space<vmem>> -> memref<80xi32, #tpu.memory_space<vmem>>
        %dma_wait3A_178 = tpu.memref_slice %arg4[%add3A_170] : memref<320000xi32, #tpu.memory_space<hbm>> -> memref<80xi32, #tpu.memory_space<hbm>>
        tpu.wait_dma2 semaphore(%arg11 : memref<!tpu.dma_semaphore, #tpu.memory_space<semaphore_mem>>) src(%dma_wait3A_178 : memref<80xi32, #tpu.memory_space<hbm>>) dst(%dma_wait3A_177 : memref<80xi32, #tpu.memory_space<vmem>>)
        %dma_wait3A_179 = arith.constant 0 : i32
        %dma_wait3A_180 = tpu.memref_slice %arg8[%sub3A_122, %dma_wait3A_179] : memref<2x80xi32, #tpu.memory_space<vmem>> -> memref<1x80xi32, #tpu.memory_space<vmem>>
        %dma_wait3A_181 = tpu.memref_squeeze %dma_wait3A_180 : memref<1x80xi32, #tpu.memory_space<vmem>> -> memref<80xi32, #tpu.memory_space<vmem>>
        %dma_wait3A_182 = tpu.memref_slice %arg5[%add3A_170] : memref<320000xi32, #tpu.memory_space<hbm>> -> memref<80xi32, #tpu.memory_space<hbm>>
        %dma_wait3A_183 = arith.constant 0 : i32
        %dma_wait3A_184 = tpu.memref_slice %arg8[%sub3A_122, %dma_wait3A_183] : memref<2x80xi32, #tpu.memory_space<vmem>> -> memref<1x80xi32, #tpu.memory_space<vmem>>
        %dma_wait3A_185 = tpu.memref_squeeze %dma_wait3A_184 : memref<1x80xi32, #tpu.memory_space<vmem>> -> memref<80xi32, #tpu.memory_space<vmem>>
        %dma_wait3A_186 = tpu.memref_slice %arg5[%add3A_170] : memref<320000xi32, #tpu.memory_space<hbm>> -> memref<80xi32, #tpu.memory_space<hbm>>
        tpu.wait_dma2 semaphore(%arg11 : memref<!tpu.dma_semaphore, #tpu.memory_space<semaphore_mem>>) src(%dma_wait3A_186 : memref<80xi32, #tpu.memory_space<hbm>>) dst(%dma_wait3A_185 : memref<80xi32, #tpu.memory_space<vmem>>)
        %ge3A = arith.constant 1 : i32
        %ge3A_187 = arith.cmpi sge, %scan3A_120, %ge3A : i32
        %convert_element_type3A_188 = arith.extui %ge3A_187 : i1 to i32
        %cond3A_189 = arith.constant 0 : i32
        %cond3A_190 = arith.cmpi ne, %convert_element_type3A_188, %cond3A_189 : i32
        scf.if %cond3A_190 {
          %sub3A_218 = arith.constant 1 : i32
          %sub3A_219 = arith.subi %scan3A_120, %sub3A_218 : i32
          %mul3A_220 = arith.constant 80 : i32
          %mul3A_221 = arith.muli %sub3A_219, %mul3A_220 : i32
          %add3A_222 = arith.addi %mul3A_2, %mul3A_221 : i32
          %dma_wait3A_223 = arith.constant 0 : i32
          %dma_wait3A_224 = arith.constant 0 : i32
          %dma_wait3A_225 = tpu.memref_slice %arg9[%sub3A_122, %dma_wait3A_223, %dma_wait3A_224] : memref<2x80x128xf32, #tpu.memory_space<vmem>> -> memref<1x80x128xf32, #tpu.memory_space<vmem>>
          %dma_wait3A_226 = tpu.memref_squeeze %dma_wait3A_225 : memref<1x80x128xf32, #tpu.memory_space<vmem>> -> memref<80x128xf32, #tpu.memory_space<vmem>>
          %dma_wait3A_227 = arith.constant 0 : i32
          %dma_wait3A_228 = tpu.memref_slice %arg6[%add3A_222, %dma_wait3A_227] : memref<320000x128xf32, #tpu.memory_space<hbm>> -> memref<80x128xf32, #tpu.memory_space<hbm>>
          %dma_wait3A_229 = arith.constant 0 : i32
          %dma_wait3A_230 = tpu.memref_slice %arg6[%add3A_222, %dma_wait3A_229] : memref<320000x128xf32, #tpu.memory_space<hbm>> -> memref<80x128xf32, #tpu.memory_space<hbm>>
          %dma_wait3A_231 = arith.constant 0 : i32
          %dma_wait3A_232 = arith.constant 0 : i32
          %dma_wait3A_233 = tpu.memref_slice %arg9[%sub3A_122, %dma_wait3A_231, %dma_wait3A_232] : memref<2x80x128xf32, #tpu.memory_space<vmem>> -> memref<1x80x128xf32, #tpu.memory_space<vmem>>
          %dma_wait3A_234 = tpu.memref_squeeze %dma_wait3A_233 : memref<1x80x128xf32, #tpu.memory_space<vmem>> -> memref<80x128xf32, #tpu.memory_space<vmem>>
          tpu.wait_dma2 semaphore(%arg13 : memref<!tpu.dma_semaphore, #tpu.memory_space<semaphore_mem>>) src(%dma_wait3A_234 : memref<80x128xf32, #tpu.memory_space<vmem>>) dst(%dma_wait3A_230 : memref<80x128xf32, #tpu.memory_space<hbm>>)
        } else {
        }
        %dma_start3A_191 = arith.constant 0 : i32
        %dma_start3A_192 = arith.constant 0 : i32
        %dma_start3A_193 = tpu.memref_slice %arg9[%sub3A_122, %dma_start3A_191, %dma_start3A_192] : memref<2x80x128xf32, #tpu.memory_space<vmem>> -> memref<1x80x128xf32, #tpu.memory_space<vmem>>
        %dma_start3A_194 = tpu.memref_squeeze %dma_start3A_193 : memref<1x80x128xf32, #tpu.memory_space<vmem>> -> memref<80x128xf32, #tpu.memory_space<vmem>>
        %dma_start3A_195 = arith.constant 0 : i32
        %dma_start3A_196 = tpu.memref_slice %arg7[%sub3A_122, %dma_start3A_195] : memref<2x80xi32, #tpu.memory_space<vmem>> -> memref<1x80xi32, #tpu.memory_space<vmem>>
        %dma_start3A_197 = tpu.memref_squeeze %dma_start3A_196 : memref<1x80xi32, #tpu.memory_space<vmem>> -> memref<80xi32, #tpu.memory_space<vmem>>
        %dma_start3A_198 = arith.constant 0 : i32
        %dma_start3A_199 = arith.constant 0 : i32
        %dma_start3A_200 = tpu.memref_slice %arg2[%dma_start3A_198, %dma_start3A_199] : memref<10000x128xf32, #tpu.memory_space<hbm>> -> memref<10000x128xf32, #tpu.memory_space<hbm>>
        tpu.enqueue_indirect_dma source(%dma_start3A_200 : memref<10000x128xf32, #tpu.memory_space<hbm>>) target(%dma_start3A_194 : memref<80x128xf32, #tpu.memory_space<vmem>>) offsets(%dma_start3A_197 : memref<80xi32, #tpu.memory_space<vmem>>) semaphore(%arg12 : memref<!tpu.dma_semaphore, #tpu.memory_space<semaphore_mem>>)
        %dma_start3A_201 = arith.constant 0 : i32
        %dma_start3A_202 = arith.constant 0 : i32
        %dma_start3A_203 = tpu.memref_slice %arg10[%sub3A_122, %dma_start3A_201, %dma_start3A_202] : memref<2x80x128xf32, #tpu.memory_space<vmem>> -> memref<1x80x128xf32, #tpu.memory_space<vmem>>
        %dma_start3A_204 = tpu.memref_squeeze %dma_start3A_203 : memref<1x80x128xf32, #tpu.memory_space<vmem>> -> memref<80x128xf32, #tpu.memory_space<vmem>>
        %dma_start3A_205 = arith.constant 0 : i32
        %dma_start3A_206 = tpu.memref_slice %arg8[%sub3A_122, %dma_start3A_205] : memref<2x80xi32, #tpu.memory_space<vmem>> -> memref<1x80xi32, #tpu.memory_space<vmem>>
        %dma_start3A_207 = tpu.memref_squeeze %dma_start3A_206 : memref<1x80xi32, #tpu.memory_space<vmem>> -> memref<80xi32, #tpu.memory_space<vmem>>
        %dma_start3A_208 = arith.constant 0 : i32
        %dma_start3A_209 = arith.constant 0 : i32
        %dma_start3A_210 = tpu.memref_slice %arg3[%dma_start3A_208, %dma_start3A_209] : memref<10000x128xf32, #tpu.memory_space<hbm>> -> memref<10000x128xf32, #tpu.memory_space<hbm>>
        tpu.enqueue_indirect_dma source(%dma_start3A_210 : memref<10000x128xf32, #tpu.memory_space<hbm>>) target(%dma_start3A_204 : memref<80x128xf32, #tpu.memory_space<vmem>>) offsets(%dma_start3A_207 : memref<80xi32, #tpu.memory_space<vmem>>) semaphore(%arg12 : memref<!tpu.dma_semaphore, #tpu.memory_space<semaphore_mem>>)
        %add3A_211 = arith.constant 2 : i32
        %add3A_212 = arith.addi %scan3A_120, %add3A_211 : i32
        %lt3A_213 = arith.constant 125 : i32
        %lt3A_214 = arith.cmpi slt, %add3A_212, %lt3A_213 : i32
        %convert_element_type3A_215 = arith.extui %lt3A_214 : i1 to i32
        %cond3A_216 = arith.constant 0 : i32
        %cond3A_217 = arith.cmpi ne, %convert_element_type3A_215, %cond3A_216 : i32
        scf.if %cond3A_217 {
          %add3A_218 = arith.constant 2 : i32
          %add3A_219 = arith.addi %scan3A_120, %add3A_218 : i32
          %mul3A_220 = arith.constant 80 : i32
          %mul3A_221 = arith.muli %add3A_219, %mul3A_220 : i32
          %add3A_222 = arith.addi %mul3A_2, %mul3A_221 : i32
          %dma_start3A_223 = arith.constant 0 : i32
          %dma_start3A_224 = tpu.memref_slice %arg7[%rem3A_121, %dma_start3A_223] : memref<2x80xi32, #tpu.memory_space<vmem>> -> memref<1x80xi32, #tpu.memory_space<vmem>>
          %dma_start3A_225 = tpu.memref_squeeze %dma_start3A_224 : memref<1x80xi32, #tpu.memory_space<vmem>> -> memref<80xi32, #tpu.memory_space<vmem>>
          %dma_start3A_226 = tpu.memref_slice %arg4[%add3A_222] : memref<320000xi32, #tpu.memory_space<hbm>> -> memref<80xi32, #tpu.memory_space<hbm>>
          %dma_start3A_227 = arith.constant 0 : i32
          %dma_start3A_228 = tpu.memref_slice %arg7[%rem3A_121, %dma_start3A_227] : memref<2x80xi32, #tpu.memory_space<vmem>> -> memref<1x80xi32, #tpu.memory_space<vmem>>
          %dma_start3A_229 = tpu.memref_squeeze %dma_start3A_228 : memref<1x80xi32, #tpu.memory_space<vmem>> -> memref<80xi32, #tpu.memory_space<vmem>>
          %dma_start3A_230 = tpu.memref_slice %arg4[%add3A_222] : memref<320000xi32, #tpu.memory_space<hbm>> -> memref<80xi32, #tpu.memory_space<hbm>>
          tpu.enqueue_dma source(%dma_start3A_230 : memref<80xi32, #tpu.memory_space<hbm>>) target(%dma_start3A_229 : memref<80xi32, #tpu.memory_space<vmem>>) target_semaphore(%arg11 : memref<!tpu.dma_semaphore, #tpu.memory_space<semaphore_mem>>)
          %dma_start3A_231 = arith.constant 0 : i32
          %dma_start3A_232 = tpu.memref_slice %arg8[%rem3A_121, %dma_start3A_231] : memref<2x80xi32, #tpu.memory_space<vmem>> -> memref<1x80xi32, #tpu.memory_space<vmem>>
          %dma_start3A_233 = tpu.memref_squeeze %dma_start3A_232 : memref<1x80xi32, #tpu.memory_space<vmem>> -> memref<80xi32, #tpu.memory_space<vmem>>
          %dma_start3A_234 = tpu.memref_slice %arg5[%add3A_222] : memref<320000xi32, #tpu.memory_space<hbm>> -> memref<80xi32, #tpu.memory_space<hbm>>
          %dma_start3A_235 = arith.constant 0 : i32
          %dma_start3A_236 = tpu.memref_slice %arg8[%rem3A_121, %dma_start3A_235] : memref<2x80xi32, #tpu.memory_space<vmem>> -> memref<1x80xi32, #tpu.memory_space<vmem>>
          %dma_start3A_237 = tpu.memref_squeeze %dma_start3A_236 : memref<1x80xi32, #tpu.memory_space<vmem>> -> memref<80xi32, #tpu.memory_space<vmem>>
          %dma_start3A_238 = tpu.memref_slice %arg5[%add3A_222] : memref<320000xi32, #tpu.memory_space<hbm>> -> memref<80xi32, #tpu.memory_space<hbm>>
          tpu.enqueue_dma source(%dma_start3A_238 : memref<80xi32, #tpu.memory_space<hbm>>) target(%dma_start3A_237 : memref<80xi32, #tpu.memory_space<vmem>>) target_semaphore(%arg11 : memref<!tpu.dma_semaphore, #tpu.memory_space<semaphore_mem>>)
        } else {
        }
      } else {
      }
      %scan3A_145 = arith.constant 0 : i32
      %scan3A_146 = arith.constant 0 : i32
      %scan3A_147 = arith.constant 80 : i32
      %scan3A_148 = arith.addi %scan3A_146, %scan3A_147 : i32
      %scan3A_149 = arith.constant 4 : i32
      scf.for %scan3A_166 = %scan3A_146 to %scan3A_148 step %scan3A_149  : i32 {
        %get3A = arith.index_cast %rem3A_121 : i32 to index
        %get3A_167 = arith.index_cast %scan3A_166 : i32 to index
        %get3A_168 = arith.constant 0 : index
        %get3A_169 = tpu.vector_load %arg9[%get3A, %get3A_167, %get3A_168] {strides = array<i32>} : memref<2x80x128xf32, #tpu.memory_space<vmem>>, vector<1x1x16xf32>,
        %get3A_170 = vector.shape_cast %get3A_169 : vector<1x1x16xf32> to vector<16xf32>
        %get3A_171 = arith.index_cast %rem3A_121 : i32 to index
        %get3A_172 = arith.index_cast %scan3A_166 : i32 to index
        %get3A_173 = arith.constant 0 : index
        %get3A_174 = tpu.vector_load %arg10[%get3A_171, %get3A_172, %get3A_173] {strides = array<i32>} : memref<2x80x128xf32, #tpu.memory_space<vmem>>, vector<1x1x16xf32>,
        %get3A_175 = vector.shape_cast %get3A_174 : vector<1x1x16xf32> to vector<16xf32>
        %add3A_176 = arith.addf %get3A_170, %get3A_175 : vector<16xf32>
        %swap3A = arith.index_cast %rem3A_121 : i32 to index
        %swap3A_177 = arith.index_cast %scan3A_166 : i32 to index
        %swap3A_178 = arith.constant 0 : index
        %swap3A_179 = tpu.vector_load %arg9[%swap3A, %swap3A_177, %swap3A_178] {strides = array<i32>} : memref<2x80x128xf32, #tpu.memory_space<vmem>>, vector<1x1x16xf32>,
        %swap3A_180 = vector.shape_cast %swap3A_179 : vector<1x1x16xf32> to vector<16xf32>
        %swap3A_181 = vector.shape_cast %add3A_176 : vector<16xf32> to vector<1x1x16xf32>
        tpu.vector_store %arg9[%swap3A, %swap3A_177, %swap3A_178], %swap3A_181 {strides = array<i32>} : memref<2x80x128xf32, #tpu.memory_space<vmem>>, vector<1x1x16xf32>,
        %get3A_182 = arith.index_cast %rem3A_121 : i32 to index
        %get3A_183 = arith.index_cast %scan3A_166 : i32 to index
        %get3A_184 = arith.constant 16 : index
        %get3A_185 = tpu.vector_load %arg9[%get3A_182, %get3A_183, %get3A_184] {strides = array<i32>} : memref<2x80x128xf32, #tpu.memory_space<vmem>>, vector<1x1x16xf32>,
        %get3A_186 = vector.shape_cast %get3A_185 : vector<1x1x16xf32> to vector<16xf32>
        %get3A_187 = arith.index_cast %rem3A_121 : i32 to index
        %get3A_188 = arith.index_cast %scan3A_166 : i32 to index
        %get3A_189 = arith.constant 16 : index
        %get3A_190 = tpu.vector_load %arg10[%get3A_187, %get3A_188, %get3A_189] {strides = array<i32>} : memref<2x80x128xf32, #tpu.memory_space<vmem>>, vector<1x1x16xf32>,
        %get3A_191 = vector.shape_cast %get3A_190 : vector<1x1x16xf32> to vector<16xf32>
        %add3A_192 = arith.addf %get3A_186, %get3A_191 : vector<16xf32>
        %swap3A_193 = arith.index_cast %rem3A_121 : i32 to index
        %swap3A_194 = arith.index_cast %scan3A_166 : i32 to index
        %swap3A_195 = arith.constant 16 : index
        %swap3A_196 = tpu.vector_load %arg9[%swap3A_193, %swap3A_194, %swap3A_195] {strides = array<i32>} : memref<2x80x128xf32, #tpu.memory_space<vmem>>, vector<1x1x16xf32>,
        %swap3A_197 = vector.shape_cast %swap3A_196 : vector<1x1x16xf32> to vector<16xf32>
        %swap3A_198 = vector.shape_cast %add3A_192 : vector<16xf32> to vector<1x1x16xf32>
        tpu.vector_store %arg9[%swap3A_193, %swap3A_194, %swap3A_195], %swap3A_198 {strides = array<i32>} : memref<2x80x128xf32, #tpu.memory_space<vmem>>, vector<1x1x16xf32>,
        %get3A_199 = arith.index_cast %rem3A_121 : i32 to index
        %get3A_200 = arith.index_cast %scan3A_166 : i32 to index
        %get3A_201 = arith.constant 32 : index
        %get3A_202 = tpu.vector_load %arg9[%get3A_199, %get3A_200, %get3A_201] {strides = array<i32>} : memref<2x80x128xf32, #tpu.memory_space<vmem>>, vector<1x1x16xf32>,
        %get3A_203 = vector.shape_cast %get3A_202 : vector<1x1x16xf32> to vector<16xf32>
        %get3A_204 = arith.index_cast %rem3A_121 : i32 to index
        %get3A_205 = arith.index_cast %scan3A_166 : i32 to index
        %get3A_206 = arith.constant 32 : index
        %get3A_207 = tpu.vector_load %arg10[%get3A_204, %get3A_205, %get3A_206] {strides = array<i32>} : memref<2x80x128xf32, #tpu.memory_space<vmem>>, vector<1x1x16xf32>,
        %get3A_208 = vector.shape_cast %get3A_207 : vector<1x1x16xf32> to vector<16xf32>
        %add3A_209 = arith.addf %get3A_203, %get3A_208 : vector<16xf32>
        %swap3A_210 = arith.index_cast %rem3A_121 : i32 to index
        %swap3A_211 = arith.index_cast %scan3A_166 : i32 to index
        %swap3A_212 = arith.constant 32 : index
        %swap3A_213 = tpu.vector_load %arg9[%swap3A_210, %swap3A_211, %swap3A_212] {strides = array<i32>} : memref<2x80x128xf32, #tpu.memory_space<vmem>>, vector<1x1x16xf32>,
        %swap3A_214 = vector.shape_cast %swap3A_213 : vector<1x1x16xf32> to vector<16xf32>
        %swap3A_215 = vector.shape_cast %add3A_209 : vector<16xf32> to vector<1x1x16xf32>
        tpu.vector_store %arg9[%swap3A_210, %swap3A_211, %swap3A_212], %swap3A_215 {strides = array<i32>} : memref<2x80x128xf32, #tpu.memory_space<vmem>>, vector<1x1x16xf32>,
        %get3A_216 = arith.index_cast %rem3A_121 : i32 to index
        %get3A_217 = arith.index_cast %scan3A_166 : i32 to index
        %get3A_218 = arith.constant 48 : index
        %get3A_219 = tpu.vector_load %arg9[%get3A_216, %get3A_217, %get3A_218] {strides = array<i32>} : memref<2x80x128xf32, #tpu.memory_space<vmem>>, vector<1x1x16xf32>,
        %get3A_220 = vector.shape_cast %get3A_219 : vector<1x1x16xf32> to vector<16xf32>
        %get3A_221 = arith.index_cast %rem3A_121 : i32 to index
        %get3A_222 = arith.index_cast %scan3A_166 : i32 to index
        %get3A_223 = arith.constant 48 : index
        %get3A_224 = tpu.vector_load %arg10[%get3A_221, %get3A_222, %get3A_223] {strides = array<i32>} : memref<2x80x128xf32, #tpu.memory_space<vmem>>, vector<1x1x16xf32>,
        %get3A_225 = vector.shape_cast %get3A_224 : vector<1x1x16xf32> to vector<16xf32>
        %add3A_226 = arith.addf %get3A_220, %get3A_225 : vector<16xf32>
        %swap3A_227 = arith.index_cast %rem3A_121 : i32 to index
        %swap3A_228 = arith.index_cast %scan3A_166 : i32 to index
        %swap3A_229 = arith.constant 48 : index
        %swap3A_230 = tpu.vector_load %arg9[%swap3A_227, %swap3A_228, %swap3A_229] {strides = array<i32>} : memref<2x80x128xf32, #tpu.memory_space<vmem>>, vector<1x1x16xf32>,
        %swap3A_231 = vector.shape_cast %swap3A_230 : vector<1x1x16xf32> to vector<16xf32>
        %swap3A_232 = vector.shape_cast %add3A_226 : vector<16xf32> to vector<1x1x16xf32>
        tpu.vector_store %arg9[%swap3A_227, %swap3A_228, %swap3A_229], %swap3A_232 {strides = array<i32>} : memref<2x80x128xf32, #tpu.memory_space<vmem>>, vector<1x1x16xf32>,
        %get3A_233 = arith.index_cast %rem3A_121 : i32 to index
        %get3A_234 = arith.index_cast %scan3A_166 : i32 to index
        %get3A_235 = arith.constant 64 : index
        %get3A_236 = tpu.vector_load %arg9[%get3A_233, %get3A_234, %get3A_235] {strides = array<i32>} : memref<2x80x128xf32, #tpu.memory_space<vmem>>, vector<1x1x16xf32>,
        %get3A_237 = vector.shape_cast %get3A_236 : vector<1x1x16xf32> to vector<16xf32>
        %get3A_238 = arith.index_cast %rem3A_121 : i32 to index
        %get3A_239 = arith.index_cast %scan3A_166 : i32 to index
        %get3A_240 = arith.constant 64 : index
        %get3A_241 = tpu.vector_load %arg10[%get3A_238, %get3A_239, %get3A_240] {strides = array<i32>} : memref<2x80x128xf32, #tpu.memory_space<vmem>>, vector<1x1x16xf32>,
        %get3A_242 = vector.shape_cast %get3A_241 : vector<1x1x16xf32> to vector<16xf32>
        %add3A_243 = arith.addf %get3A_237, %get3A_242 : vector<16xf32>
        %swap3A_244 = arith.index_cast %rem3A_121 : i32 to index
        %swap3A_245 = arith.index_cast %scan3A_166 : i32 to index
        %swap3A_246 = arith.constant 64 : index
        %swap3A_247 = tpu.vector_load %arg9[%swap3A_244, %swap3A_245, %swap3A_246] {strides = array<i32>} : memref<2x80x128xf32, #tpu.memory_space<vmem>>, vector<1x1x16xf32>,
        %swap3A_248 = vector.shape_cast %swap3A_247 : vector<1x1x16xf32> to vector<16xf32>
        %swap3A_249 = vector.shape_cast %add3A_243 : vector<16xf32> to vector<1x1x16xf32>
        tpu.vector_store %arg9[%swap3A_244, %swap3A_245, %swap3A_246], %swap3A_249 {strides = array<i32>} : memref<2x80x128xf32, #tpu.memory_space<vmem>>, vector<1x1x16xf32>,
        %get3A_250 = arith.index_cast %rem3A_121 : i32 to index
        %get3A_251 = arith.index_cast %scan3A_166 : i32 to index
        %get3A_252 = arith.constant 80 : index
        %get3A_253 = tpu.vector_load %arg9[%get3A_250, %get3A_251, %get3A_252] {strides = array<i32>} : memref<2x80x128xf32, #tpu.memory_space<vmem>>, vector<1x1x16xf32>,
        %get3A_254 = vector.shape_cast %get3A_253 : vector<1x1x16xf32> to vector<16xf32>
        %get3A_255 = arith.index_cast %rem3A_121 : i32 to index
        %get3A_256 = arith.index_cast %scan3A_166 : i32 to index
        %get3A_257 = arith.constant 80 : index
        %get3A_258 = tpu.vector_load %arg10[%get3A_255, %get3A_256, %get3A_257] {strides = array<i32>} : memref<2x80x128xf32, #tpu.memory_space<vmem>>, vector<1x1x16xf32>,
        %get3A_259 = vector.shape_cast %get3A_258 : vector<1x1x16xf32> to vector<16xf32>
        %add3A_260 = arith.addf %get3A_254, %get3A_259 : vector<16xf32>
        %swap3A_261 = arith.index_cast %rem3A_121 : i32 to index
        %swap3A_262 = arith.index_cast %scan3A_166 : i32 to index
        %swap3A_263 = arith.constant 80 : index
        %swap3A_264 = tpu.vector_load %arg9[%swap3A_261, %swap3A_262, %swap3A_263] {strides = array<i32>} : memref<2x80x128xf32, #tpu.memory_space<vmem>>, vector<1x1x16xf32>,
        %swap3A_265 = vector.shape_cast %swap3A_264 : vector<1x1x16xf32> to vector<16xf32>
        %swap3A_266 = vector.shape_cast %add3A_260 : vector<16xf32> to vector<1x1x16xf32>
        tpu.vector_store %arg9[%swap3A_261, %swap3A_262, %swap3A_263], %swap3A_266 {strides = array<i32>} : memref<2x80x128xf32, #tpu.memory_space<vmem>>, vector<1x1x16xf32>,
        %get3A_267 = arith.index_cast %rem3A_121 : i32 to index
        %get3A_268 = arith.index_cast %scan3A_166 : i32 to index
        %get3A_269 = arith.constant 96 : index
        %get3A_270 = tpu.vector_load %arg9[%get3A_267, %get3A_268, %get3A_269] {strides = array<i32>} : memref<2x80x128xf32, #tpu.memory_space<vmem>>, vector<1x1x16xf32>,
        %get3A_271 = vector.shape_cast %get3A_270 : vector<1x1x16xf32> to vector<16xf32>
        %get3A_272 = arith.index_cast %rem3A_121 : i32 to index
        %get3A_273 = arith.index_cast %scan3A_166 : i32 to index
        %get3A_274 = arith.constant 96 : index
        %get3A_275 = tpu.vector_load %arg10[%get3A_272, %get3A_273, %get3A_274] {strides = array<i32>} : memref<2x80x128xf32, #tpu.memory_space<vmem>>, vector<1x1x16xf32>,
        %get3A_276 = vector.shape_cast %get3A_275 : vector<1x1x16xf32> to vector<16xf32>
        %add3A_277 = arith.addf %get3A_271, %get3A_276 : vector<16xf32>
        %swap3A_278 = arith.index_cast %rem3A_121 : i32 to index
        %swap3A_279 = arith.index_cast %scan3A_166 : i32 to index
        %swap3A_280 = arith.constant 96 : index
        %swap3A_281 = tpu.vector_load %arg9[%swap3A_278, %swap3A_279, %swap3A_280] {strides = array<i32>} : memref<2x80x128xf32, #tpu.memory_space<vmem>>, vector<1x1x16xf32>,
        %swap3A_282 = vector.shape_cast %swap3A_281 : vector<1x1x16xf32> to vector<16xf32>
        %swap3A_283 = vector.shape_cast %add3A_277 : vector<16xf32> to vector<1x1x16xf32>
        tpu.vector_store %arg9[%swap3A_278, %swap3A_279, %swap3A_280], %swap3A_283 {strides = array<i32>} : memref<2x80x128xf32, #tpu.memory_space<vmem>>, vector<1x1x16xf32>,
        %get3A_284 = arith.index_cast %rem3A_121 : i32 to index
        %get3A_285 = arith.index_cast %scan3A_166 : i32 to index
        %get3A_286 = arith.constant 112 : index
        %get3A_287 = tpu.vector_load %arg9[%get3A_284, %get3A_285, %get3A_286] {strides = array<i32>} : memref<2x80x128xf32, #tpu.memory_space<vmem>>, vector<1x1x16xf32>,
        %get3A_288 = vector.shape_cast %get3A_287 : vector<1x1x16xf32> to vector<16xf32>
        %get3A_289 = arith.index_cast %rem3A_121 : i32 to index
        %get3A_290 = arith.index_cast %scan3A_166 : i32 to index
        %get3A_291 = arith.constant 112 : index
        %get3A_292 = tpu.vector_load %arg10[%get3A_289, %get3A_290, %get3A_291] {strides = array<i32>} : memref<2x80x128xf32, #tpu.memory_space<vmem>>, vector<1x1x16xf32>,
        %get3A_293 = vector.shape_cast %get3A_292 : vector<1x1x16xf32> to vector<16xf32>
        %add3A_294 = arith.addf %get3A_288, %get3A_293 : vector<16xf32>
        %swap3A_295 = arith.index_cast %rem3A_121 : i32 to index
        %swap3A_296 = arith.index_cast %scan3A_166 : i32 to index
        %swap3A_297 = arith.constant 112 : index
        %swap3A_298 = tpu.vector_load %arg9[%swap3A_295, %swap3A_296, %swap3A_297] {strides = array<i32>} : memref<2x80x128xf32, #tpu.memory_space<vmem>>, vector<1x1x16xf32>,
        %swap3A_299 = vector.shape_cast %swap3A_298 : vector<1x1x16xf32> to vector<16xf32>
        %swap3A_300 = vector.shape_cast %add3A_294 : vector<16xf32> to vector<1x1x16xf32>
        tpu.vector_store %arg9[%swap3A_295, %swap3A_296, %swap3A_297], %swap3A_300 {strides = array<i32>} : memref<2x80x128xf32, #tpu.memory_space<vmem>>, vector<1x1x16xf32>,
        %scan3A_301 = arith.constant 1 : i32
        %scan3A_302 = arith.addi %scan3A_166, %scan3A_301 : i32
        %get3A_303 = arith.index_cast %rem3A_121 : i32 to index
        %get3A_304 = arith.index_cast %scan3A_302 : i32 to index
        %get3A_305 = arith.constant 0 : index
        %get3A_306 = tpu.vector_load %arg9[%get3A_303, %get3A_304, %get3A_305] {strides = array<i32>} : memref<2x80x128xf32, #tpu.memory_space<vmem>>, vector<1x1x16xf32>,
        %get3A_307 = vector.shape_cast %get3A_306 : vector<1x1x16xf32> to vector<16xf32>
        %get3A_308 = arith.index_cast %rem3A_121 : i32 to index
        %get3A_309 = arith.index_cast %scan3A_302 : i32 to index
        %get3A_310 = arith.constant 0 : index
        %get3A_311 = tpu.vector_load %arg10[%get3A_308, %get3A_309, %get3A_310] {strides = array<i32>} : memref<2x80x128xf32, #tpu.memory_space<vmem>>, vector<1x1x16xf32>,
        %get3A_312 = vector.shape_cast %get3A_311 : vector<1x1x16xf32> to vector<16xf32>
        %add3A_313 = arith.addf %get3A_307, %get3A_312 : vector<16xf32>
        %swap3A_314 = arith.index_cast %rem3A_121 : i32 to index
        %swap3A_315 = arith.index_cast %scan3A_302 : i32 to index
        %swap3A_316 = arith.constant 0 : index
        %swap3A_317 = tpu.vector_load %arg9[%swap3A_314, %swap3A_315, %swap3A_316] {strides = array<i32>} : memref<2x80x128xf32, #tpu.memory_space<vmem>>, vector<1x1x16xf32>,
        %swap3A_318 = vector.shape_cast %swap3A_317 : vector<1x1x16xf32> to vector<16xf32>
        %swap3A_319 = vector.shape_cast %add3A_313 : vector<16xf32> to vector<1x1x16xf32>
        tpu.vector_store %arg9[%swap3A_314, %swap3A_315, %swap3A_316], %swap3A_319 {strides = array<i32>} : memref<2x80x128xf32, #tpu.memory_space<vmem>>, vector<1x1x16xf32>,
        %get3A_320 = arith.index_cast %rem3A_121 : i32 to index
        %get3A_321 = arith.index_cast %scan3A_302 : i32 to index
        %get3A_322 = arith.constant 16 : index
        %get3A_323 = tpu.vector_load %arg9[%get3A_320, %get3A_321, %get3A_322] {strides = array<i32>} : memref<2x80x128xf32, #tpu.memory_space<vmem>>, vector<1x1x16xf32>,
        %get3A_324 = vector.shape_cast %get3A_323 : vector<1x1x16xf32> to vector<16xf32>
        %get3A_325 = arith.index_cast %rem3A_121 : i32 to index
        %get3A_326 = arith.index_cast %scan3A_302 : i32 to index
        %get3A_327 = arith.constant 16 : index
        %get3A_328 = tpu.vector_load %arg10[%get3A_325, %get3A_326, %get3A_327] {strides = array<i32>} : memref<2x80x128xf32, #tpu.memory_space<vmem>>, vector<1x1x16xf32>,
        %get3A_329 = vector.shape_cast %get3A_328 : vector<1x1x16xf32> to vector<16xf32>
        %add3A_330 = arith.addf %get3A_324, %get3A_329 : vector<16xf32>
        %swap3A_331 = arith.index_cast %rem3A_121 : i32 to index
        %swap3A_332 = arith.index_cast %scan3A_302 : i32 to index
        %swap3A_333 = arith.constant 16 : index
        %swap3A_334 = tpu.vector_load %arg9[%swap3A_331, %swap3A_332, %swap3A_333] {strides = array<i32>} : memref<2x80x128xf32, #tpu.memory_space<vmem>>, vector<1x1x16xf32>,
        %swap3A_335 = vector.shape_cast %swap3A_334 : vector<1x1x16xf32> to vector<16xf32>
        %swap3A_336 = vector.shape_cast %add3A_330 : vector<16xf32> to vector<1x1x16xf32>
        tpu.vector_store %arg9[%swap3A_331, %swap3A_332, %swap3A_333], %swap3A_336 {strides = array<i32>} : memref<2x80x128xf32, #tpu.memory_space<vmem>>, vector<1x1x16xf32>,
        %get3A_337 = arith.index_cast %rem3A_121 : i32 to index
        %get3A_338 = arith.index_cast %scan3A_302 : i32 to index
        %get3A_339 = arith.constant 32 : index
        %get3A_340 = tpu.vector_load %arg9[%get3A_337, %get3A_338, %get3A_339] {strides = array<i32>} : memref<2x80x128xf32, #tpu.memory_space<vmem>>, vector<1x1x16xf32>,
        %get3A_341 = vector.shape_cast %get3A_340 : vector<1x1x16xf32> to vector<16xf32>
        %get3A_342 = arith.index_cast %rem3A_121 : i32 to index
        %get3A_343 = arith.index_cast %scan3A_302 : i32 to index
        %get3A_344 = arith.constant 32 : index
        %get3A_345 = tpu.vector_load %arg10[%get3A_342, %get3A_343, %get3A_344] {strides = array<i32>} : memref<2x80x128xf32, #tpu.memory_space<vmem>>, vector<1x1x16xf32>,
        %get3A_346 = vector.shape_cast %get3A_345 : vector<1x1x16xf32> to vector<16xf32>
        %add3A_347 = arith.addf %get3A_341, %get3A_346 : vector<16xf32>
        %swap3A_348 = arith.index_cast %rem3A_121 : i32 to index
        %swap3A_349 = arith.index_cast %scan3A_302 : i32 to index
        %swap3A_350 = arith.constant 32 : index
        %swap3A_351 = tpu.vector_load %arg9[%swap3A_348, %swap3A_349, %swap3A_350] {strides = array<i32>} : memref<2x80x128xf32, #tpu.memory_space<vmem>>, vector<1x1x16xf32>,
        %swap3A_352 = vector.shape_cast %swap3A_351 : vector<1x1x16xf32> to vector<16xf32>
        %swap3A_353 = vector.shape_cast %add3A_347 : vector<16xf32> to vector<1x1x16xf32>
        tpu.vector_store %arg9[%swap3A_348, %swap3A_349, %swap3A_350], %swap3A_353 {strides = array<i32>} : memref<2x80x128xf32, #tpu.memory_space<vmem>>, vector<1x1x16xf32>,
        %get3A_354 = arith.index_cast %rem3A_121 : i32 to index
        %get3A_355 = arith.index_cast %scan3A_302 : i32 to index
        %get3A_356 = arith.constant 48 : index
        %get3A_357 = tpu.vector_load %arg9[%get3A_354, %get3A_355, %get3A_356] {strides = array<i32>} : memref<2x80x128xf32, #tpu.memory_space<vmem>>, vector<1x1x16xf32>,
        %get3A_358 = vector.shape_cast %get3A_357 : vector<1x1x16xf32> to vector<16xf32>
        %get3A_359 = arith.index_cast %rem3A_121 : i32 to index
        %get3A_360 = arith.index_cast %scan3A_302 : i32 to index
        %get3A_361 = arith.constant 48 : index
        %get3A_362 = tpu.vector_load %arg10[%get3A_359, %get3A_360, %get3A_361] {strides = array<i32>} : memref<2x80x128xf32, #tpu.memory_space<vmem>>, vector<1x1x16xf32>,
        %get3A_363 = vector.shape_cast %get3A_362 : vector<1x1x16xf32> to vector<16xf32>
        %add3A_364 = arith.addf %get3A_358, %get3A_363 : vector<16xf32>
        %swap3A_365 = arith.index_cast %rem3A_121 : i32 to index
        %swap3A_366 = arith.index_cast %scan3A_302 : i32 to index
        %swap3A_367 = arith.constant 48 : index
        %swap3A_368 = tpu.vector_load %arg9[%swap3A_365, %swap3A_366, %swap3A_367] {strides = array<i32>} : memref<2x80x128xf32, #tpu.memory_space<vmem>>, vector<1x1x16xf32>,
        %swap3A_369 = vector.shape_cast %swap3A_368 : vector<1x1x16xf32> to vector<16xf32>
        %swap3A_370 = vector.shape_cast %add3A_364 : vector<16xf32> to vector<1x1x16xf32>
        tpu.vector_store %arg9[%swap3A_365, %swap3A_366, %swap3A_367], %swap3A_370 {strides = array<i32>} : memref<2x80x128xf32, #tpu.memory_space<vmem>>, vector<1x1x16xf32>,
        %get3A_371 = arith.index_cast %rem3A_121 : i32 to index
        %get3A_372 = arith.index_cast %scan3A_302 : i32 to index
        %get3A_373 = arith.constant 64 : index
        %get3A_374 = tpu.vector_load %arg9[%get3A_371, %get3A_372, %get3A_373] {strides = array<i32>} : memref<2x80x128xf32, #tpu.memory_space<vmem>>, vector<1x1x16xf32>,
        %get3A_375 = vector.shape_cast %get3A_374 : vector<1x1x16xf32> to vector<16xf32>
        %get3A_376 = arith.index_cast %rem3A_121 : i32 to index
        %get3A_377 = arith.index_cast %scan3A_302 : i32 to index
        %get3A_378 = arith.constant 64 : index
        %get3A_379 = tpu.vector_load %arg10[%get3A_376, %get3A_377, %get3A_378] {strides = array<i32>} : memref<2x80x128xf32, #tpu.memory_space<vmem>>, vector<1x1x16xf32>,
        %get3A_380 = vector.shape_cast %get3A_379 : vector<1x1x16xf32> to vector<16xf32>
        %add3A_381 = arith.addf %get3A_375, %get3A_380 : vector<16xf32>
        %swap3A_382 = arith.index_cast %rem3A_121 : i32 to index
        %swap3A_383 = arith.index_cast %scan3A_302 : i32 to index
        %swap3A_384 = arith.constant 64 : index
        %swap3A_385 = tpu.vector_load %arg9[%swap3A_382, %swap3A_383, %swap3A_384] {strides = array<i32>} : memref<2x80x128xf32, #tpu.memory_space<vmem>>, vector<1x1x16xf32>,
        %swap3A_386 = vector.shape_cast %swap3A_385 : vector<1x1x16xf32> to vector<16xf32>
        %swap3A_387 = vector.shape_cast %add3A_381 : vector<16xf32> to vector<1x1x16xf32>
        tpu.vector_store %arg9[%swap3A_382, %swap3A_383, %swap3A_384], %swap3A_387 {strides = array<i32>} : memref<2x80x128xf32, #tpu.memory_space<vmem>>, vector<1x1x16xf32>,
        %get3A_388 = arith.index_cast %rem3A_121 : i32 to index
        %get3A_389 = arith.index_cast %scan3A_302 : i32 to index
        %get3A_390 = arith.constant 80 : index
        %get3A_391 = tpu.vector_load %arg9[%get3A_388, %get3A_389, %get3A_390] {strides = array<i32>} : memref<2x80x128xf32, #tpu.memory_space<vmem>>, vector<1x1x16xf32>,
        %get3A_392 = vector.shape_cast %get3A_391 : vector<1x1x16xf32> to vector<16xf32>
        %get3A_393 = arith.index_cast %rem3A_121 : i32 to index
        %get3A_394 = arith.index_cast %scan3A_302 : i32 to index
        %get3A_395 = arith.constant 80 : index
        %get3A_396 = tpu.vector_load %arg10[%get3A_393, %get3A_394, %get3A_395] {strides = array<i32>} : memref<2x80x128xf32, #tpu.memory_space<vmem>>, vector<1x1x16xf32>,
        %get3A_397 = vector.shape_cast %get3A_396 : vector<1x1x16xf32> to vector<16xf32>
        %add3A_398 = arith.addf %get3A_392, %get3A_397 : vector<16xf32>
        %swap3A_399 = arith.index_cast %rem3A_121 : i32 to index
        %swap3A_400 = arith.index_cast %scan3A_302 : i32 to index
        %swap3A_401 = arith.constant 80 : index
        %swap3A_402 = tpu.vector_load %arg9[%swap3A_399, %swap3A_400, %swap3A_401] {strides = array<i32>} : memref<2x80x128xf32, #tpu.memory_space<vmem>>, vector<1x1x16xf32>,
        %swap3A_403 = vector.shape_cast %swap3A_402 : vector<1x1x16xf32> to vector<16xf32>
        %swap3A_404 = vector.shape_cast %add3A_398 : vector<16xf32> to vector<1x1x16xf32>
        tpu.vector_store %arg9[%swap3A_399, %swap3A_400, %swap3A_401], %swap3A_404 {strides = array<i32>} : memref<2x80x128xf32, #tpu.memory_space<vmem>>, vector<1x1x16xf32>,
        %get3A_405 = arith.index_cast %rem3A_121 : i32 to index
        %get3A_406 = arith.index_cast %scan3A_302 : i32 to index
        %get3A_407 = arith.constant 96 : index
        %get3A_408 = tpu.vector_load %arg9[%get3A_405, %get3A_406, %get3A_407] {strides = array<i32>} : memref<2x80x128xf32, #tpu.memory_space<vmem>>, vector<1x1x16xf32>,
        %get3A_409 = vector.shape_cast %get3A_408 : vector<1x1x16xf32> to vector<16xf32>
        %get3A_410 = arith.index_cast %rem3A_121 : i32 to index
        %get3A_411 = arith.index_cast %scan3A_302 : i32 to index
        %get3A_412 = arith.constant 96 : index
        %get3A_413 = tpu.vector_load %arg10[%get3A_410, %get3A_411, %get3A_412] {strides = array<i32>} : memref<2x80x128xf32, #tpu.memory_space<vmem>>, vector<1x1x16xf32>,
        %get3A_414 = vector.shape_cast %get3A_413 : vector<1x1x16xf32> to vector<16xf32>
        %add3A_415 = arith.addf %get3A_409, %get3A_414 : vector<16xf32>
        %swap3A_416 = arith.index_cast %rem3A_121 : i32 to index
        %swap3A_417 = arith.index_cast %scan3A_302 : i32 to index
        %swap3A_418 = arith.constant 96 : index
        %swap3A_419 = tpu.vector_load %arg9[%swap3A_416, %swap3A_417, %swap3A_418] {strides = array<i32>} : memref<2x80x128xf32, #tpu.memory_space<vmem>>, vector<1x1x16xf32>,
        %swap3A_420 = vector.shape_cast %swap3A_419 : vector<1x1x16xf32> to vector<16xf32>
        %swap3A_421 = vector.shape_cast %add3A_415 : vector<16xf32> to vector<1x1x16xf32>
        tpu.vector_store %arg9[%swap3A_416, %swap3A_417, %swap3A_418], %swap3A_421 {strides = array<i32>} : memref<2x80x128xf32, #tpu.memory_space<vmem>>, vector<1x1x16xf32>,
        %get3A_422 = arith.index_cast %rem3A_121 : i32 to index
        %get3A_423 = arith.index_cast %scan3A_302 : i32 to index
        %get3A_424 = arith.constant 112 : index
        %get3A_425 = tpu.vector_load %arg9[%get3A_422, %get3A_423, %get3A_424] {strides = array<i32>} : memref<2x80x128xf32, #tpu.memory_space<vmem>>, vector<1x1x16xf32>,
        %get3A_426 = vector.shape_cast %get3A_425 : vector<1x1x16xf32> to vector<16xf32>
        %get3A_427 = arith.index_cast %rem3A_121 : i32 to index
        %get3A_428 = arith.index_cast %scan3A_302 : i32 to index
        %get3A_429 = arith.constant 112 : index
        %get3A_430 = tpu.vector_load %arg10[%get3A_427, %get3A_428, %get3A_429] {strides = array<i32>} : memref<2x80x128xf32, #tpu.memory_space<vmem>>, vector<1x1x16xf32>,
        %get3A_431 = vector.shape_cast %get3A_430 : vector<1x1x16xf32> to vector<16xf32>
        %add3A_432 = arith.addf %get3A_426, %get3A_431 : vector<16xf32>
        %swap3A_433 = arith.index_cast %rem3A_121 : i32 to index
        %swap3A_434 = arith.index_cast %scan3A_302 : i32 to index
        %swap3A_435 = arith.constant 112 : index
        %swap3A_436 = tpu.vector_load %arg9[%swap3A_433, %swap3A_434, %swap3A_435] {strides = array<i32>} : memref<2x80x128xf32, #tpu.memory_space<vmem>>, vector<1x1x16xf32>,
        %swap3A_437 = vector.shape_cast %swap3A_436 : vector<1x1x16xf32> to vector<16xf32>
        %swap3A_438 = vector.shape_cast %add3A_432 : vector<16xf32> to vector<1x1x16xf32>
        tpu.vector_store %arg9[%swap3A_433, %swap3A_434, %swap3A_435], %swap3A_438 {strides = array<i32>} : memref<2x80x128xf32, #tpu.memory_space<vmem>>, vector<1x1x16xf32>,
        %scan3A_439 = arith.constant 2 : i32
        %scan3A_440 = arith.addi %scan3A_166, %scan3A_439 : i32
        %get3A_441 = arith.index_cast %rem3A_121 : i32 to index
        %get3A_442 = arith.index_cast %scan3A_440 : i32 to index
        %get3A_443 = arith.constant 0 : index
        %get3A_444 = tpu.vector_load %arg9[%get3A_441, %get3A_442, %get3A_443] {strides = array<i32>} : memref<2x80x128xf32, #tpu.memory_space<vmem>>, vector<1x1x16xf32>,
        %get3A_445 = vector.shape_cast %get3A_444 : vector<1x1x16xf32> to vector<16xf32>
        %get3A_446 = arith.index_cast %rem3A_121 : i32 to index
        %get3A_447 = arith.index_cast %scan3A_440 : i32 to index
        %get3A_448 = arith.constant 0 : index
        %get3A_449 = tpu.vector_load %arg10[%get3A_446, %get3A_447, %get3A_448] {strides = array<i32>} : memref<2x80x128xf32, #tpu.memory_space<vmem>>, vector<1x1x16xf32>,
        %get3A_450 = vector.shape_cast %get3A_449 : vector<1x1x16xf32> to vector<16xf32>
        %add3A_451 = arith.addf %get3A_445, %get3A_450 : vector<16xf32>
        %swap3A_452 = arith.index_cast %rem3A_121 : i32 to index
        %swap3A_453 = arith.index_cast %scan3A_440 : i32 to index
        %swap3A_454 = arith.constant 0 : index
        %swap3A_455 = tpu.vector_load %arg9[%swap3A_452, %swap3A_453, %swap3A_454] {strides = array<i32>} : memref<2x80x128xf32, #tpu.memory_space<vmem>>, vector<1x1x16xf32>,
        %swap3A_456 = vector.shape_cast %swap3A_455 : vector<1x1x16xf32> to vector<16xf32>
        %swap3A_457 = vector.shape_cast %add3A_451 : vector<16xf32> to vector<1x1x16xf32>
        tpu.vector_store %arg9[%swap3A_452, %swap3A_453, %swap3A_454], %swap3A_457 {strides = array<i32>} : memref<2x80x128xf32, #tpu.memory_space<vmem>>, vector<1x1x16xf32>,
        %get3A_458 = arith.index_cast %rem3A_121 : i32 to index
        %get3A_459 = arith.index_cast %scan3A_440 : i32 to index
        %get3A_460 = arith.constant 16 : index
        %get3A_461 = tpu.vector_load %arg9[%get3A_458, %get3A_459, %get3A_460] {strides = array<i32>} : memref<2x80x128xf32, #tpu.memory_space<vmem>>, vector<1x1x16xf32>,
        %get3A_462 = vector.shape_cast %get3A_461 : vector<1x1x16xf32> to vector<16xf32>
        %get3A_463 = arith.index_cast %rem3A_121 : i32 to index
        %get3A_464 = arith.index_cast %scan3A_440 : i32 to index
        %get3A_465 = arith.constant 16 : index
        %get3A_466 = tpu.vector_load %arg10[%get3A_463, %get3A_464, %get3A_465] {strides = array<i32>} : memref<2x80x128xf32, #tpu.memory_space<vmem>>, vector<1x1x16xf32>,
        %get3A_467 = vector.shape_cast %get3A_466 : vector<1x1x16xf32> to vector<16xf32>
        %add3A_468 = arith.addf %get3A_462, %get3A_467 : vector<16xf32>
        %swap3A_469 = arith.index_cast %rem3A_121 : i32 to index
        %swap3A_470 = arith.index_cast %scan3A_440 : i32 to index
        %swap3A_471 = arith.constant 16 : index
        %swap3A_472 = tpu.vector_load %arg9[%swap3A_469, %swap3A_470, %swap3A_471] {strides = array<i32>} : memref<2x80x128xf32, #tpu.memory_space<vmem>>, vector<1x1x16xf32>,
        %swap3A_473 = vector.shape_cast %swap3A_472 : vector<1x1x16xf32> to vector<16xf32>
        %swap3A_474 = vector.shape_cast %add3A_468 : vector<16xf32> to vector<1x1x16xf32>
        tpu.vector_store %arg9[%swap3A_469, %swap3A_470, %swap3A_471], %swap3A_474 {strides = array<i32>} : memref<2x80x128xf32, #tpu.memory_space<vmem>>, vector<1x1x16xf32>,
        %get3A_475 = arith.index_cast %rem3A_121 : i32 to index
        %get3A_476 = arith.index_cast %scan3A_440 : i32 to index
        %get3A_477 = arith.constant 32 : index
        %get3A_478 = tpu.vector_load %arg9[%get3A_475, %get3A_476, %get3A_477] {strides = array<i32>} : memref<2x80x128xf32, #tpu.memory_space<vmem>>, vector<1x1x16xf32>,
        %get3A_479 = vector.shape_cast %get3A_478 : vector<1x1x16xf32> to vector<16xf32>
        %get3A_480 = arith.index_cast %rem3A_121 : i32 to index
        %get3A_481 = arith.index_cast %scan3A_440 : i32 to index
        %get3A_482 = arith.constant 32 : index
        %get3A_483 = tpu.vector_load %arg10[%get3A_480, %get3A_481, %get3A_482] {strides = array<i32>} : memref<2x80x128xf32, #tpu.memory_space<vmem>>, vector<1x1x16xf32>,
        %get3A_484 = vector.shape_cast %get3A_483 : vector<1x1x16xf32> to vector<16xf32>
        %add3A_485 = arith.addf %get3A_479, %get3A_484 : vector<16xf32>
        %swap3A_486 = arith.index_cast %rem3A_121 : i32 to index
        %swap3A_487 = arith.index_cast %scan3A_440 : i32 to index
        %swap3A_488 = arith.constant 32 : index
        %swap3A_489 = tpu.vector_load %arg9[%swap3A_486, %swap3A_487, %swap3A_488] {strides = array<i32>} : memref<2x80x128xf32, #tpu.memory_space<vmem>>, vector<1x1x16xf32>,
        %swap3A_490 = vector.shape_cast %swap3A_489 : vector<1x1x16xf32> to vector<16xf32>
        %swap3A_491 = vector.shape_cast %add3A_485 : vector<16xf32> to vector<1x1x16xf32>
        tpu.vector_store %arg9[%swap3A_486, %swap3A_487, %swap3A_488], %swap3A_491 {strides = array<i32>} : memref<2x80x128xf32, #tpu.memory_space<vmem>>, vector<1x1x16xf32>,
        %get3A_492 = arith.index_cast %rem3A_121 : i32 to index
        %get3A_493 = arith.index_cast %scan3A_440 : i32 to index
        %get3A_494 = arith.constant 48 : index
        %get3A_495 = tpu.vector_load %arg9[%get3A_492, %get3A_493, %get3A_494] {strides = array<i32>} : memref<2x80x128xf32, #tpu.memory_space<vmem>>, vector<1x1x16xf32>,
        %get3A_496 = vector.shape_cast %get3A_495 : vector<1x1x16xf32> to vector<16xf32>
        %get3A_497 = arith.index_cast %rem3A_121 : i32 to index
        %get3A_498 = arith.index_cast %scan3A_440 : i32 to index
        %get3A_499 = arith.constant 48 : index
        %get3A_500 = tpu.vector_load %arg10[%get3A_497, %get3A_498, %get3A_499] {strides = array<i32>} : memref<2x80x128xf32, #tpu.memory_space<vmem>>, vector<1x1x16xf32>,
        %get3A_501 = vector.shape_cast %get3A_500 : vector<1x1x16xf32> to vector<16xf32>
        %add3A_502 = arith.addf %get3A_496, %get3A_501 : vector<16xf32>
        %swap3A_503 = arith.index_cast %rem3A_121 : i32 to index
        %swap3A_504 = arith.index_cast %scan3A_440 : i32 to index
        %swap3A_505 = arith.constant 48 : index
        %swap3A_506 = tpu.vector_load %arg9[%swap3A_503, %swap3A_504, %swap3A_505] {strides = array<i32>} : memref<2x80x128xf32, #tpu.memory_space<vmem>>, vector<1x1x16xf32>,
        %swap3A_507 = vector.shape_cast %swap3A_506 : vector<1x1x16xf32> to vector<16xf32>
        %swap3A_508 = vector.shape_cast %add3A_502 : vector<16xf32> to vector<1x1x16xf32>
        tpu.vector_store %arg9[%swap3A_503, %swap3A_504, %swap3A_505], %swap3A_508 {strides = array<i32>} : memref<2x80x128xf32, #tpu.memory_space<vmem>>, vector<1x1x16xf32>,
        %get3A_509 = arith.index_cast %rem3A_121 : i32 to index
        %get3A_510 = arith.index_cast %scan3A_440 : i32 to index
        %get3A_511 = arith.constant 64 : index
        %get3A_512 = tpu.vector_load %arg9[%get3A_509, %get3A_510, %get3A_511] {strides = array<i32>} : memref<2x80x128xf32, #tpu.memory_space<vmem>>, vector<1x1x16xf32>,
        %get3A_513 = vector.shape_cast %get3A_512 : vector<1x1x16xf32> to vector<16xf32>
        %get3A_514 = arith.index_cast %rem3A_121 : i32 to index
        %get3A_515 = arith.index_cast %scan3A_440 : i32 to index
        %get3A_516 = arith.constant 64 : index
        %get3A_517 = tpu.vector_load %arg10[%get3A_514, %get3A_515, %get3A_516] {strides = array<i32>} : memref<2x80x128xf32, #tpu.memory_space<vmem>>, vector<1x1x16xf32>,
        %get3A_518 = vector.shape_cast %get3A_517 : vector<1x1x16xf32> to vector<16xf32>
        %add3A_519 = arith.addf %get3A_513, %get3A_518 : vector<16xf32>
        %swap3A_520 = arith.index_cast %rem3A_121 : i32 to index
        %swap3A_521 = arith.index_cast %scan3A_440 : i32 to index
        %swap3A_522 = arith.constant 64 : index
        %swap3A_523 = tpu.vector_load %arg9[%swap3A_520, %swap3A_521, %swap3A_522] {strides = array<i32>} : memref<2x80x128xf32, #tpu.memory_space<vmem>>, vector<1x1x16xf32>,
        %swap3A_524 = vector.shape_cast %swap3A_523 : vector<1x1x16xf32> to vector<16xf32>
        %swap3A_525 = vector.shape_cast %add3A_519 : vector<16xf32> to vector<1x1x16xf32>
        tpu.vector_store %arg9[%swap3A_520, %swap3A_521, %swap3A_522], %swap3A_525 {strides = array<i32>} : memref<2x80x128xf32, #tpu.memory_space<vmem>>, vector<1x1x16xf32>,
        %get3A_526 = arith.index_cast %rem3A_121 : i32 to index
        %get3A_527 = arith.index_cast %scan3A_440 : i32 to index
        %get3A_528 = arith.constant 80 : index
        %get3A_529 = tpu.vector_load %arg9[%get3A_526, %get3A_527, %get3A_528] {strides = array<i32>} : memref<2x80x128xf32, #tpu.memory_space<vmem>>, vector<1x1x16xf32>,
        %get3A_530 = vector.shape_cast %get3A_529 : vector<1x1x16xf32> to vector<16xf32>
        %get3A_531 = arith.index_cast %rem3A_121 : i32 to index
        %get3A_532 = arith.index_cast %scan3A_440 : i32 to index
        %get3A_533 = arith.constant 80 : index
        %get3A_534 = tpu.vector_load %arg10[%get3A_531, %get3A_532, %get3A_533] {strides = array<i32>} : memref<2x80x128xf32, #tpu.memory_space<vmem>>, vector<1x1x16xf32>,
        %get3A_535 = vector.shape_cast %get3A_534 : vector<1x1x16xf32> to vector<16xf32>
        %add3A_536 = arith.addf %get3A_530, %get3A_535 : vector<16xf32>
        %swap3A_537 = arith.index_cast %rem3A_121 : i32 to index
        %swap3A_538 = arith.index_cast %scan3A_440 : i32 to index
        %swap3A_539 = arith.constant 80 : index
        %swap3A_540 = tpu.vector_load %arg9[%swap3A_537, %swap3A_538, %swap3A_539] {strides = array<i32>} : memref<2x80x128xf32, #tpu.memory_space<vmem>>, vector<1x1x16xf32>,
        %swap3A_541 = vector.shape_cast %swap3A_540 : vector<1x1x16xf32> to vector<16xf32>
        %swap3A_542 = vector.shape_cast %add3A_536 : vector<16xf32> to vector<1x1x16xf32>
        tpu.vector_store %arg9[%swap3A_537, %swap3A_538, %swap3A_539], %swap3A_542 {strides = array<i32>} : memref<2x80x128xf32, #tpu.memory_space<vmem>>, vector<1x1x16xf32>,
        %get3A_543 = arith.index_cast %rem3A_121 : i32 to index
        %get3A_544 = arith.index_cast %scan3A_440 : i32 to index
        %get3A_545 = arith.constant 96 : index
        %get3A_546 = tpu.vector_load %arg9[%get3A_543, %get3A_544, %get3A_545] {strides = array<i32>} : memref<2x80x128xf32, #tpu.memory_space<vmem>>, vector<1x1x16xf32>,
        %get3A_547 = vector.shape_cast %get3A_546 : vector<1x1x16xf32> to vector<16xf32>
        %get3A_548 = arith.index_cast %rem3A_121 : i32 to index
        %get3A_549 = arith.index_cast %scan3A_440 : i32 to index
        %get3A_550 = arith.constant 96 : index
        %get3A_551 = tpu.vector_load %arg10[%get3A_548, %get3A_549, %get3A_550] {strides = array<i32>} : memref<2x80x128xf32, #tpu.memory_space<vmem>>, vector<1x1x16xf32>,
        %get3A_552 = vector.shape_cast %get3A_551 : vector<1x1x16xf32> to vector<16xf32>
        %add3A_553 = arith.addf %get3A_547, %get3A_552 : vector<16xf32>
        %swap3A_554 = arith.index_cast %rem3A_121 : i32 to index
        %swap3A_555 = arith.index_cast %scan3A_440 : i32 to index
        %swap3A_556 = arith.constant 96 : index
        %swap3A_557 = tpu.vector_load %arg9[%swap3A_554, %swap3A_555, %swap3A_556] {strides = array<i32>} : memref<2x80x128xf32, #tpu.memory_space<vmem>>, vector<1x1x16xf32>,
        %swap3A_558 = vector.shape_cast %swap3A_557 : vector<1x1x16xf32> to vector<16xf32>
        %swap3A_559 = vector.shape_cast %add3A_553 : vector<16xf32> to vector<1x1x16xf32>
        tpu.vector_store %arg9[%swap3A_554, %swap3A_555, %swap3A_556], %swap3A_559 {strides = array<i32>} : memref<2x80x128xf32, #tpu.memory_space<vmem>>, vector<1x1x16xf32>,
        %get3A_560 = arith.index_cast %rem3A_121 : i32 to index
        %get3A_561 = arith.index_cast %scan3A_440 : i32 to index
        %get3A_562 = arith.constant 112 : index
        %get3A_563 = tpu.vector_load %arg9[%get3A_560, %get3A_561, %get3A_562] {strides = array<i32>} : memref<2x80x128xf32, #tpu.memory_space<vmem>>, vector<1x1x16xf32>,
        %get3A_564 = vector.shape_cast %get3A_563 : vector<1x1x16xf32> to vector<16xf32>
        %get3A_565 = arith.index_cast %rem3A_121 : i32 to index
        %get3A_566 = arith.index_cast %scan3A_440 : i32 to index
        %get3A_567 = arith.constant 112 : index
        %get3A_568 = tpu.vector_load %arg10[%get3A_565, %get3A_566, %get3A_567] {strides = array<i32>} : memref<2x80x128xf32, #tpu.memory_space<vmem>>, vector<1x1x16xf32>,
        %get3A_569 = vector.shape_cast %get3A_568 : vector<1x1x16xf32> to vector<16xf32>
        %add3A_570 = arith.addf %get3A_564, %get3A_569 : vector<16xf32>
        %swap3A_571 = arith.index_cast %rem3A_121 : i32 to index
        %swap3A_572 = arith.index_cast %scan3A_440 : i32 to index
        %swap3A_573 = arith.constant 112 : index
        %swap3A_574 = tpu.vector_load %arg9[%swap3A_571, %swap3A_572, %swap3A_573] {strides = array<i32>} : memref<2x80x128xf32, #tpu.memory_space<vmem>>, vector<1x1x16xf32>,
        %swap3A_575 = vector.shape_cast %swap3A_574 : vector<1x1x16xf32> to vector<16xf32>
        %swap3A_576 = vector.shape_cast %add3A_570 : vector<16xf32> to vector<1x1x16xf32>
        tpu.vector_store %arg9[%swap3A_571, %swap3A_572, %swap3A_573], %swap3A_576 {strides = array<i32>} : memref<2x80x128xf32, #tpu.memory_space<vmem>>, vector<1x1x16xf32>,
        %scan3A_577 = arith.constant 3 : i32
        %scan3A_578 = arith.addi %scan3A_166, %scan3A_577 : i32
        %get3A_579 = arith.index_cast %rem3A_121 : i32 to index
        %get3A_580 = arith.index_cast %scan3A_578 : i32 to index
        %get3A_581 = arith.constant 0 : index
        %get3A_582 = tpu.vector_load %arg9[%get3A_579, %get3A_580, %get3A_581] {strides = array<i32>} : memref<2x80x128xf32, #tpu.memory_space<vmem>>, vector<1x1x16xf32>,
        %get3A_583 = vector.shape_cast %get3A_582 : vector<1x1x16xf32> to vector<16xf32>
        %get3A_584 = arith.index_cast %rem3A_121 : i32 to index
        %get3A_585 = arith.index_cast %scan3A_578 : i32 to index
        %get3A_586 = arith.constant 0 : index
        %get3A_587 = tpu.vector_load %arg10[%get3A_584, %get3A_585, %get3A_586] {strides = array<i32>} : memref<2x80x128xf32, #tpu.memory_space<vmem>>, vector<1x1x16xf32>,
        %get3A_588 = vector.shape_cast %get3A_587 : vector<1x1x16xf32> to vector<16xf32>
        %add3A_589 = arith.addf %get3A_583, %get3A_588 : vector<16xf32>
        %swap3A_590 = arith.index_cast %rem3A_121 : i32 to index
        %swap3A_591 = arith.index_cast %scan3A_578 : i32 to index
        %swap3A_592 = arith.constant 0 : index
        %swap3A_593 = tpu.vector_load %arg9[%swap3A_590, %swap3A_591, %swap3A_592] {strides = array<i32>} : memref<2x80x128xf32, #tpu.memory_space<vmem>>, vector<1x1x16xf32>,
        %swap3A_594 = vector.shape_cast %swap3A_593 : vector<1x1x16xf32> to vector<16xf32>
        %swap3A_595 = vector.shape_cast %add3A_589 : vector<16xf32> to vector<1x1x16xf32>
        tpu.vector_store %arg9[%swap3A_590, %swap3A_591, %swap3A_592], %swap3A_595 {strides = array<i32>} : memref<2x80x128xf32, #tpu.memory_space<vmem>>, vector<1x1x16xf32>,
        %get3A_596 = arith.index_cast %rem3A_121 : i32 to index
        %get3A_597 = arith.index_cast %scan3A_578 : i32 to index
        %get3A_598 = arith.constant 16 : index
        %get3A_599 = tpu.vector_load %arg9[%get3A_596, %get3A_597, %get3A_598] {strides = array<i32>} : memref<2x80x128xf32, #tpu.memory_space<vmem>>, vector<1x1x16xf32>,
        %get3A_600 = vector.shape_cast %get3A_599 : vector<1x1x16xf32> to vector<16xf32>
        %get3A_601 = arith.index_cast %rem3A_121 : i32 to index
        %get3A_602 = arith.index_cast %scan3A_578 : i32 to index
        %get3A_603 = arith.constant 16 : index
        %get3A_604 = tpu.vector_load %arg10[%get3A_601, %get3A_602, %get3A_603] {strides = array<i32>} : memref<2x80x128xf32, #tpu.memory_space<vmem>>, vector<1x1x16xf32>,
        %get3A_605 = vector.shape_cast %get3A_604 : vector<1x1x16xf32> to vector<16xf32>
        %add3A_606 = arith.addf %get3A_600, %get3A_605 : vector<16xf32>
        %swap3A_607 = arith.index_cast %rem3A_121 : i32 to index
        %swap3A_608 = arith.index_cast %scan3A_578 : i32 to index
        %swap3A_609 = arith.constant 16 : index
        %swap3A_610 = tpu.vector_load %arg9[%swap3A_607, %swap3A_608, %swap3A_609] {strides = array<i32>} : memref<2x80x128xf32, #tpu.memory_space<vmem>>, vector<1x1x16xf32>,
        %swap3A_611 = vector.shape_cast %swap3A_610 : vector<1x1x16xf32> to vector<16xf32>
        %swap3A_612 = vector.shape_cast %add3A_606 : vector<16xf32> to vector<1x1x16xf32>
        tpu.vector_store %arg9[%swap3A_607, %swap3A_608, %swap3A_609], %swap3A_612 {strides = array<i32>} : memref<2x80x128xf32, #tpu.memory_space<vmem>>, vector<1x1x16xf32>,
        %get3A_613 = arith.index_cast %rem3A_121 : i32 to index
        %get3A_614 = arith.index_cast %scan3A_578 : i32 to index
        %get3A_615 = arith.constant 32 : index
        %get3A_616 = tpu.vector_load %arg9[%get3A_613, %get3A_614, %get3A_615] {strides = array<i32>} : memref<2x80x128xf32, #tpu.memory_space<vmem>>, vector<1x1x16xf32>,
        %get3A_617 = vector.shape_cast %get3A_616 : vector<1x1x16xf32> to vector<16xf32>
        %get3A_618 = arith.index_cast %rem3A_121 : i32 to index
        %get3A_619 = arith.index_cast %scan3A_578 : i32 to index
        %get3A_620 = arith.constant 32 : index
        %get3A_621 = tpu.vector_load %arg10[%get3A_618, %get3A_619, %get3A_620] {strides = array<i32>} : memref<2x80x128xf32, #tpu.memory_space<vmem>>, vector<1x1x16xf32>,
        %get3A_622 = vector.shape_cast %get3A_621 : vector<1x1x16xf32> to vector<16xf32>
        %add3A_623 = arith.addf %get3A_617, %get3A_622 : vector<16xf32>
        %swap3A_624 = arith.index_cast %rem3A_121 : i32 to index
        %swap3A_625 = arith.index_cast %scan3A_578 : i32 to index
        %swap3A_626 = arith.constant 32 : index
        %swap3A_627 = tpu.vector_load %arg9[%swap3A_624, %swap3A_625, %swap3A_626] {strides = array<i32>} : memref<2x80x128xf32, #tpu.memory_space<vmem>>, vector<1x1x16xf32>,
        %swap3A_628 = vector.shape_cast %swap3A_627 : vector<1x1x16xf32> to vector<16xf32>
        %swap3A_629 = vector.shape_cast %add3A_623 : vector<16xf32> to vector<1x1x16xf32>
        tpu.vector_store %arg9[%swap3A_624, %swap3A_625, %swap3A_626], %swap3A_629 {strides = array<i32>} : memref<2x80x128xf32, #tpu.memory_space<vmem>>, vector<1x1x16xf32>,
        %get3A_630 = arith.index_cast %rem3A_121 : i32 to index
        %get3A_631 = arith.index_cast %scan3A_578 : i32 to index
        %get3A_632 = arith.constant 48 : index
        %get3A_633 = tpu.vector_load %arg9[%get3A_630, %get3A_631, %get3A_632] {strides = array<i32>} : memref<2x80x128xf32, #tpu.memory_space<vmem>>, vector<1x1x16xf32>,
        %get3A_634 = vector.shape_cast %get3A_633 : vector<1x1x16xf32> to vector<16xf32>
        %get3A_635 = arith.index_cast %rem3A_121 : i32 to index
        %get3A_636 = arith.index_cast %scan3A_578 : i32 to index
        %get3A_637 = arith.constant 48 : index
        %get3A_638 = tpu.vector_load %arg10[%get3A_635, %get3A_636, %get3A_637] {strides = array<i32>} : memref<2x80x128xf32, #tpu.memory_space<vmem>>, vector<1x1x16xf32>,
        %get3A_639 = vector.shape_cast %get3A_638 : vector<1x1x16xf32> to vector<16xf32>
        %add3A_640 = arith.addf %get3A_634, %get3A_639 : vector<16xf32>
        %swap3A_641 = arith.index_cast %rem3A_121 : i32 to index
        %swap3A_642 = arith.index_cast %scan3A_578 : i32 to index
        %swap3A_643 = arith.constant 48 : index
        %swap3A_644 = tpu.vector_load %arg9[%swap3A_641, %swap3A_642, %swap3A_643] {strides = array<i32>} : memref<2x80x128xf32, #tpu.memory_space<vmem>>, vector<1x1x16xf32>,
        %swap3A_645 = vector.shape_cast %swap3A_644 : vector<1x1x16xf32> to vector<16xf32>
        %swap3A_646 = vector.shape_cast %add3A_640 : vector<16xf32> to vector<1x1x16xf32>
        tpu.vector_store %arg9[%swap3A_641, %swap3A_642, %swap3A_643], %swap3A_646 {strides = array<i32>} : memref<2x80x128xf32, #tpu.memory_space<vmem>>, vector<1x1x16xf32>,
        %get3A_647 = arith.index_cast %rem3A_121 : i32 to index
        %get3A_648 = arith.index_cast %scan3A_578 : i32 to index
        %get3A_649 = arith.constant 64 : index
        %get3A_650 = tpu.vector_load %arg9[%get3A_647, %get3A_648, %get3A_649] {strides = array<i32>} : memref<2x80x128xf32, #tpu.memory_space<vmem>>, vector<1x1x16xf32>,
        %get3A_651 = vector.shape_cast %get3A_650 : vector<1x1x16xf32> to vector<16xf32>
        %get3A_652 = arith.index_cast %rem3A_121 : i32 to index
        %get3A_653 = arith.index_cast %scan3A_578 : i32 to index
        %get3A_654 = arith.constant 64 : index
        %get3A_655 = tpu.vector_load %arg10[%get3A_652, %get3A_653, %get3A_654] {strides = array<i32>} : memref<2x80x128xf32, #tpu.memory_space<vmem>>, vector<1x1x16xf32>,
        %get3A_656 = vector.shape_cast %get3A_655 : vector<1x1x16xf32> to vector<16xf32>
        %add3A_657 = arith.addf %get3A_651, %get3A_656 : vector<16xf32>
        %swap3A_658 = arith.index_cast %rem3A_121 : i32 to index
        %swap3A_659 = arith.index_cast %scan3A_578 : i32 to index
        %swap3A_660 = arith.constant 64 : index
        %swap3A_661 = tpu.vector_load %arg9[%swap3A_658, %swap3A_659, %swap3A_660] {strides = array<i32>} : memref<2x80x128xf32, #tpu.memory_space<vmem>>, vector<1x1x16xf32>,
        %swap3A_662 = vector.shape_cast %swap3A_661 : vector<1x1x16xf32> to vector<16xf32>
        %swap3A_663 = vector.shape_cast %add3A_657 : vector<16xf32> to vector<1x1x16xf32>
        tpu.vector_store %arg9[%swap3A_658, %swap3A_659, %swap3A_660], %swap3A_663 {strides = array<i32>} : memref<2x80x128xf32, #tpu.memory_space<vmem>>, vector<1x1x16xf32>,
        %get3A_664 = arith.index_cast %rem3A_121 : i32 to index
        %get3A_665 = arith.index_cast %scan3A_578 : i32 to index
        %get3A_666 = arith.constant 80 : index
        %get3A_667 = tpu.vector_load %arg9[%get3A_664, %get3A_665, %get3A_666] {strides = array<i32>} : memref<2x80x128xf32, #tpu.memory_space<vmem>>, vector<1x1x16xf32>,
        %get3A_668 = vector.shape_cast %get3A_667 : vector<1x1x16xf32> to vector<16xf32>
        %get3A_669 = arith.index_cast %rem3A_121 : i32 to index
        %get3A_670 = arith.index_cast %scan3A_578 : i32 to index
        %get3A_671 = arith.constant 80 : index
        %get3A_672 = tpu.vector_load %arg10[%get3A_669, %get3A_670, %get3A_671] {strides = array<i32>} : memref<2x80x128xf32, #tpu.memory_space<vmem>>, vector<1x1x16xf32>,
        %get3A_673 = vector.shape_cast %get3A_672 : vector<1x1x16xf32> to vector<16xf32>
        %add3A_674 = arith.addf %get3A_668, %get3A_673 : vector<16xf32>
        %swap3A_675 = arith.index_cast %rem3A_121 : i32 to index
        %swap3A_676 = arith.index_cast %scan3A_578 : i32 to index
        %swap3A_677 = arith.constant 80 : index
        %swap3A_678 = tpu.vector_load %arg9[%swap3A_675, %swap3A_676, %swap3A_677] {strides = array<i32>} : memref<2x80x128xf32, #tpu.memory_space<vmem>>, vector<1x1x16xf32>,
        %swap3A_679 = vector.shape_cast %swap3A_678 : vector<1x1x16xf32> to vector<16xf32>
        %swap3A_680 = vector.shape_cast %add3A_674 : vector<16xf32> to vector<1x1x16xf32>
        tpu.vector_store %arg9[%swap3A_675, %swap3A_676, %swap3A_677], %swap3A_680 {strides = array<i32>} : memref<2x80x128xf32, #tpu.memory_space<vmem>>, vector<1x1x16xf32>,
        %get3A_681 = arith.index_cast %rem3A_121 : i32 to index
        %get3A_682 = arith.index_cast %scan3A_578 : i32 to index
        %get3A_683 = arith.constant 96 : index
        %get3A_684 = tpu.vector_load %arg9[%get3A_681, %get3A_682, %get3A_683] {strides = array<i32>} : memref<2x80x128xf32, #tpu.memory_space<vmem>>, vector<1x1x16xf32>,
        %get3A_685 = vector.shape_cast %get3A_684 : vector<1x1x16xf32> to vector<16xf32>
        %get3A_686 = arith.index_cast %rem3A_121 : i32 to index
        %get3A_687 = arith.index_cast %scan3A_578 : i32 to index
        %get3A_688 = arith.constant 96 : index
        %get3A_689 = tpu.vector_load %arg10[%get3A_686, %get3A_687, %get3A_688] {strides = array<i32>} : memref<2x80x128xf32, #tpu.memory_space<vmem>>, vector<1x1x16xf32>,
        %get3A_690 = vector.shape_cast %get3A_689 : vector<1x1x16xf32> to vector<16xf32>
        %add3A_691 = arith.addf %get3A_685, %get3A_690 : vector<16xf32>
        %swap3A_692 = arith.index_cast %rem3A_121 : i32 to index
        %swap3A_693 = arith.index_cast %scan3A_578 : i32 to index
        %swap3A_694 = arith.constant 96 : index
        %swap3A_695 = tpu.vector_load %arg9[%swap3A_692, %swap3A_693, %swap3A_694] {strides = array<i32>} : memref<2x80x128xf32, #tpu.memory_space<vmem>>, vector<1x1x16xf32>,
        %swap3A_696 = vector.shape_cast %swap3A_695 : vector<1x1x16xf32> to vector<16xf32>
        %swap3A_697 = vector.shape_cast %add3A_691 : vector<16xf32> to vector<1x1x16xf32>
        tpu.vector_store %arg9[%swap3A_692, %swap3A_693, %swap3A_694], %swap3A_697 {strides = array<i32>} : memref<2x80x128xf32, #tpu.memory_space<vmem>>, vector<1x1x16xf32>,
        %get3A_698 = arith.index_cast %rem3A_121 : i32 to index
        %get3A_699 = arith.index_cast %scan3A_578 : i32 to index
        %get3A_700 = arith.constant 112 : index
        %get3A_701 = tpu.vector_load %arg9[%get3A_698, %get3A_699, %get3A_700] {strides = array<i32>} : memref<2x80x128xf32, #tpu.memory_space<vmem>>, vector<1x1x16xf32>,
        %get3A_702 = vector.shape_cast %get3A_701 : vector<1x1x16xf32> to vector<16xf32>
        %get3A_703 = arith.index_cast %rem3A_121 : i32 to index
        %get3A_704 = arith.index_cast %scan3A_578 : i32 to index
        %get3A_705 = arith.constant 112 : index
        %get3A_706 = tpu.vector_load %arg10[%get3A_703, %get3A_704, %get3A_705] {strides = array<i32>} : memref<2x80x128xf32, #tpu.memory_space<vmem>>, vector<1x1x16xf32>,
        %get3A_707 = vector.shape_cast %get3A_706 : vector<1x1x16xf32> to vector<16xf32>
        %add3A_708 = arith.addf %get3A_702, %get3A_707 : vector<16xf32>
        %swap3A_709 = arith.index_cast %rem3A_121 : i32 to index
        %swap3A_710 = arith.index_cast %scan3A_578 : i32 to index
        %swap3A_711 = arith.constant 112 : index
        %swap3A_712 = tpu.vector_load %arg9[%swap3A_709, %swap3A_710, %swap3A_711] {strides = array<i32>} : memref<2x80x128xf32, #tpu.memory_space<vmem>>, vector<1x1x16xf32>,
        %swap3A_713 = vector.shape_cast %swap3A_712 : vector<1x1x16xf32> to vector<16xf32>
        %swap3A_714 = vector.shape_cast %add3A_708 : vector<16xf32> to vector<1x1x16xf32>
        tpu.vector_store %arg9[%swap3A_709, %swap3A_710, %swap3A_711], %swap3A_714 {strides = array<i32>} : memref<2x80x128xf32, #tpu.memory_space<vmem>>, vector<1x1x16xf32>,
      }
      %scan3A_150 = arith.constant 80 : i32
      %mul3A_151 = arith.constant 80 : i32
      %mul3A_152 = arith.muli %scan3A_120, %mul3A_151 : i32
      %add3A_153 = arith.addi %mul3A_2, %mul3A_152 : i32
      %dma_start3A_154 = arith.constant 0 : i32
      %dma_start3A_155 = arith.constant 0 : i32
      %dma_start3A_156 = tpu.memref_slice %arg9[%rem3A_121, %dma_start3A_154, %dma_start3A_155] : memref<2x80x128xf32, #tpu.memory_space<vmem>> -> memref<1x80x128xf32, #tpu.memory_space<vmem>>
      %dma_start3A_157 = tpu.memref_squeeze %dma_start3A_156 : memref<1x80x128xf32, #tpu.memory_space<vmem>> -> memref<80x128xf32, #tpu.memory_space<vmem>>
      %dma_start3A_158 = arith.constant 0 : i32
      %dma_start3A_159 = tpu.memref_slice %arg6[%add3A_153, %dma_start3A_158] : memref<320000x128xf32, #tpu.memory_space<hbm>> -> memref<80x128xf32, #tpu.memory_space<hbm>>
      %dma_start3A_160 = arith.constant 0 : i32
      %dma_start3A_161 = tpu.memref_slice %arg6[%add3A_153, %dma_start3A_160] : memref<320000x128xf32, #tpu.memory_space<hbm>> -> memref<80x128xf32, #tpu.memory_space<hbm>>
      %dma_start3A_162 = arith.constant 0 : i32
      %dma_start3A_163 = arith.constant 0 : i32
      %dma_start3A_164 = tpu.memref_slice %arg9[%rem3A_121, %dma_start3A_162, %dma_start3A_163] : memref<2x80x128xf32, #tpu.memory_space<vmem>> -> memref<1x80x128xf32, #tpu.memory_space<vmem>>
      %dma_start3A_165 = tpu.memref_squeeze %dma_start3A_164 : memref<1x80x128xf32, #tpu.memory_space<vmem>> -> memref<80x128xf32, #tpu.memory_space<vmem>>
      tpu.enqueue_dma source(%dma_start3A_165 : memref<80x128xf32, #tpu.memory_space<vmem>>) target(%dma_start3A_161 : memref<80x128xf32, #tpu.memory_space<hbm>>) target_semaphore(%arg13 : memref<!tpu.dma_semaphore, #tpu.memory_space<semaphore_mem>>)
    }
    %scan3A_89 = arith.constant 125 : i32
    %add3A_90 = arith.constant 9840 : i32
    %add3A_91 = arith.addi %mul3A_2, %add3A_90 : i32
    %dma_wait3A_92 = arith.constant 1 : i32
    %dma_wait3A_93 = arith.constant 0 : i32
    %dma_wait3A_94 = arith.constant 0 : i32
    %dma_wait3A_95 = tpu.memref_slice %arg9[%dma_wait3A_92, %dma_wait3A_93, %dma_wait3A_94] : memref<2x80x128xf32, #tpu.memory_space<vmem>> -> memref<1x80x128xf32, #tpu.memory_space<vmem>>
    %dma_wait3A_96 = tpu.memref_squeeze %dma_wait3A_95 : memref<1x80x128xf32, #tpu.memory_space<vmem>> -> memref<80x128xf32, #tpu.memory_space<vmem>>
    %dma_wait3A_97 = arith.constant 0 : i32
    %dma_wait3A_98 = tpu.memref_slice %arg6[%add3A_91, %dma_wait3A_97] : memref<320000x128xf32, #tpu.memory_space<hbm>> -> memref<80x128xf32, #tpu.memory_space<hbm>>
    %dma_wait3A_99 = arith.constant 0 : i32
    %dma_wait3A_100 = tpu.memref_slice %arg6[%add3A_91, %dma_wait3A_99] : memref<320000x128xf32, #tpu.memory_space<hbm>> -> memref<80x128xf32, #tpu.memory_space<hbm>>
    %dma_wait3A_101 = arith.constant 0 : i32
    %dma_wait3A_102 = arith.constant 0 : i32
    %dma_wait3A_103 = tpu.memref_slice %arg9[%dma_wait3A_92, %dma_wait3A_101, %dma_wait3A_102] : memref<2x80x128xf32, #tpu.memory_space<vmem>> -> memref<1x80x128xf32, #tpu.memory_space<vmem>>
    %dma_wait3A_104 = tpu.memref_squeeze %dma_wait3A_103 : memref<1x80x128xf32, #tpu.memory_space<vmem>> -> memref<80x128xf32, #tpu.memory_space<vmem>>
    tpu.wait_dma2 semaphore(%arg13 : memref<!tpu.dma_semaphore, #tpu.memory_space<semaphore_mem>>) src(%dma_wait3A_104 : memref<80x128xf32, #tpu.memory_space<vmem>>) dst(%dma_wait3A_100 : memref<80x128xf32, #tpu.memory_space<hbm>>)
    %add3A_105 = arith.constant 9920 : i32
    %add3A_106 = arith.addi %mul3A_2, %add3A_105 : i32
    %dma_wait3A_107 = arith.constant 0 : i32
    %dma_wait3A_108 = arith.constant 0 : i32
    %dma_wait3A_109 = arith.constant 0 : i32
    %dma_wait3A_110 = tpu.memref_slice %arg9[%dma_wait3A_107, %dma_wait3A_108, %dma_wait3A_109] : memref<2x80x128xf32, #tpu.memory_space<vmem>> -> memref<1x80x128xf32, #tpu.memory_space<vmem>>
    %dma_wait3A_111 = tpu.memref_squeeze %dma_wait3A_110 : memref<1x80x128xf32, #tpu.memory_space<vmem>> -> memref<80x128xf32, #tpu.memory_space<vmem>>
    %dma_wait3A_112 = arith.constant 0 : i32
    %dma_wait3A_113 = tpu.memref_slice %arg6[%add3A_106, %dma_wait3A_112] : memref<320000x128xf32, #tpu.memory_space<hbm>> -> memref<80x128xf32, #tpu.memory_space<hbm>>
    %dma_wait3A_114 = arith.constant 0 : i32
    %dma_wait3A_115 = tpu.memref_slice %arg6[%add3A_106, %dma_wait3A_114] : memref<320000x128xf32, #tpu.memory_space<hbm>> -> memref<80x128xf32, #tpu.memory_space<hbm>>
    %dma_wait3A_116 = arith.constant 0 : i32
    %dma_wait3A_117 = arith.constant 0 : i32
    %dma_wait3A_118 = tpu.memref_slice %arg9[%dma_wait3A_107, %dma_wait3A_116, %dma_wait3A_117] : memref<2x80x128xf32, #tpu.memory_space<vmem>> -> memref<1x80x128xf32, #tpu.memory_space<vmem>>
    %dma_wait3A_119 = tpu.memref_squeeze %dma_wait3A_118 : memref<1x80x128xf32, #tpu.memory_space<vmem>> -> memref<80x128xf32, #tpu.memory_space<vmem>>
    tpu.wait_dma2 semaphore(%arg13 : memref<!tpu.dma_semaphore, #tpu.memory_space<semaphore_mem>>) src(%dma_wait3A_119 : memref<80x128xf32, #tpu.memory_space<vmem>>) dst(%dma_wait3A_115 : memref<80x128xf32, #tpu.memory_space<hbm>>)
    return
  }
}

module attributes {stable_mosaic.version = 14 : i64} {
  func.func @_proj_body(%arg0: i32, %arg1: memref<1000x128xf32, #tpu.memory_space<vmem>>, %arg2: memref<128x128xf32, #tpu.memory_space<vmem>>, %arg3: memref<128x128xf32, #tpu.memory_space<vmem>>, %arg4: memref<1000x128xf32, #tpu.memory_space<vmem>>, %arg5: memref<1000x128xf32, #tpu.memory_space<vmem>>) attributes {dimension_semantics = [#tpu.dimension_semantics<arbitrary>], iteration_bounds = array<i64: 10>, scalar_prefetch = 0 : i64, scratch_operands = 0 : i64, tpu.core_type = #tpu.core_type<tc>, window_params = [{transform_indices = @transform_0, window_bounds = array<i64: 1000, 128>}, {pipeline_mode = #tpu.pipeline_mode<synchronous>, transform_indices = @transform_1, window_bounds = array<i64: 128, 128>}, {pipeline_mode = #tpu.pipeline_mode<synchronous>, transform_indices = @transform_2, window_bounds = array<i64: 128, 128>}, {transform_indices = @transform_3, window_bounds = array<i64: 1000, 128>}, {transform_indices = @transform_4, window_bounds = array<i64: 1000, 128>}]} {
    %get3A = arith.constant 0 : index
    %get3A_0 = arith.constant 0 : index
    %get3A_1 = vector.load %arg1[%get3A, %get3A_0] : memref<1000x128xf32, #tpu.memory_space<vmem>>, vector<1000x128xf32>
    %get3A_2 = arith.constant 0 : index
    %get3A_3 = arith.constant 0 : index
    %get3A_4 = vector.load %arg2[%get3A_2, %get3A_3] : memref<128x128xf32, #tpu.memory_space<vmem>>, vector<128x128xf32>
    %dot_general3A = arith.constant dense<0.000000e+00> : vector<1000x128xf32>
    %dot_general3A_5 = tpu.matmul %get3A_1, %get3A_4, %dot_general3A {dimension_numbers = #tpu.dot_dimension_numbers<[1], [0], [0], [1], [0, 0, 1, 1], [], []>, transpose_lhs_hint = false} : vector<1000x128xf32>, vector<128x128xf32>, vector<1000x128xf32> -> vector<1000x128xf32>
    %swap3A = arith.constant 0 : index
    %swap3A_6 = arith.constant 0 : index
    %swap3A_7 = vector.load %arg4[%swap3A, %swap3A_6] : memref<1000x128xf32, #tpu.memory_space<vmem>>, vector<1000x128xf32>
    tpu.vector_store %arg4[%swap3A, %swap3A_6], %dot_general3A_5 {strides = array<i32>} : memref<1000x128xf32, #tpu.memory_space<vmem>>, vector<1000x128xf32>,
    %get3A_8 = arith.constant 0 : index
    %get3A_9 = arith.constant 0 : index
    %get3A_10 = vector.load %arg3[%get3A_8, %get3A_9] : memref<128x128xf32, #tpu.memory_space<vmem>>, vector<128x128xf32>
    %dot_general3A_11 = arith.constant dense<0.000000e+00> : vector<1000x128xf32>
    %dot_general3A_12 = tpu.matmul %get3A_1, %get3A_10, %dot_general3A_11 {dimension_numbers = #tpu.dot_dimension_numbers<[1], [0], [0], [1], [0, 0, 1, 1], [], []>, transpose_lhs_hint = false} : vector<1000x128xf32>, vector<128x128xf32>, vector<1000x128xf32> -> vector<1000x128xf32>
    %swap3A_13 = arith.constant 0 : index
    %swap3A_14 = arith.constant 0 : index
    %swap3A_15 = vector.load %arg5[%swap3A_13, %swap3A_14] : memref<1000x128xf32, #tpu.memory_space<vmem>>, vector<1000x128xf32>
    tpu.vector_store %arg5[%swap3A_13, %swap3A_14], %dot_general3A_12 {strides = array<i32>} : memref<1000x128xf32, #tpu.memory_space<vmem>>, vector<1000x128xf32>,
    return
  }
  func.func @transform_0(%arg0: i32) -> (i32, i32) {
    %c0_i32 = arith.constant 0 : i32
    %c0_i32_0 = arith.constant 0 : i32
    return %arg0, %c0_i32 : i32, i32
  }
  func.func @transform_1(%arg0: i32) -> (i32, i32) {
    %c0_i32 = arith.constant 0 : i32
    %c0_i32_0 = arith.constant 0 : i32
    %c0_i32_1 = arith.constant 0 : i32
    return %c0_i32, %c0_i32_0 : i32, i32
  }
  func.func @transform_2(%arg0: i32) -> (i32, i32) {
    %c0_i32 = arith.constant 0 : i32
    %c0_i32_0 = arith.constant 0 : i32
    %c0_i32_1 = arith.constant 0 : i32
    return %c0_i32, %c0_i32_0 : i32, i32
  }
  func.func @transform_3(%arg0: i32) -> (i32, i32) {
    %c0_i32 = arith.constant 0 : i32
    %c0_i32_0 = arith.constant 0 : i32
    return %arg0, %c0_i32 : i32, i32
  }
  func.func @transform_4(%arg0: i32) -> (i32, i32) {
    %c0_i32 = arith.constant 0 : i32
    %c0_i32_0 = arith.constant 0 : i32
    return %arg0, %c0_i32 : i32, i32
  }
}

module attributes {stable_mosaic.version = 14 : i64} {
  func.func @_edge_body(%arg0: i32, %arg1: memref<512x128xf32, #tpu.memory_space<vmem>>, %arg2: memref<512x16xf32, #tpu.memory_space<vmem>>, %arg3: memref<16x128xf32, #tpu.memory_space<vmem>>, %arg4: memref<1x128xf32, #tpu.memory_space<vmem>>, %arg5: memref<128x128xf32, #tpu.memory_space<vmem>>, %arg6: memref<1x128xf32, #tpu.memory_space<vmem>>, %arg7: memref<1x128xf32, #tpu.memory_space<vmem>>, %arg8: memref<1x1xf32, #tpu.memory_space<vmem>>, %arg9: memref<512x128xf32, #tpu.memory_space<vmem>>) attributes {dimension_semantics = [#tpu.dimension_semantics<arbitrary>], iteration_bounds = array<i64: 625>, scalar_prefetch = 0 : i64, scratch_operands = 0 : i64, tpu.core_type = #tpu.core_type<tc>, window_params = [{transform_indices = @transform_0, window_bounds = array<i64: 512, 128>}, {transform_indices = @transform_1, window_bounds = array<i64: 512, 16>}, {pipeline_mode = #tpu.pipeline_mode<synchronous>, transform_indices = @transform_2, window_bounds = array<i64: 16, 128>}, {pipeline_mode = #tpu.pipeline_mode<synchronous>, transform_indices = @transform_3, window_bounds = array<i64: 1, 128>}, {pipeline_mode = #tpu.pipeline_mode<synchronous>, transform_indices = @transform_4, window_bounds = array<i64: 128, 128>}, {pipeline_mode = #tpu.pipeline_mode<synchronous>, transform_indices = @transform_5, window_bounds = array<i64: 1, 128>}, {pipeline_mode = #tpu.pipeline_mode<synchronous>, transform_indices = @transform_6, window_bounds = array<i64: 1, 128>}, {pipeline_mode = #tpu.pipeline_mode<synchronous>, transform_indices = @transform_7, window_bounds = array<i64: 1, 1>}, {transform_indices = @transform_8, window_bounds = array<i64: 512, 128>}]} {
    %get3A = arith.constant 0 : index
    %get3A_0 = arith.constant 0 : index
    %get3A_1 = vector.load %arg1[%get3A, %get3A_0] : memref<512x128xf32, #tpu.memory_space<vmem>>, vector<512x128xf32>
    %get3A_2 = arith.constant 0 : index
    %get3A_3 = arith.constant 0 : index
    %get3A_4 = vector.load %arg2[%get3A_2, %get3A_3] : memref<512x16xf32, #tpu.memory_space<vmem>>, vector<512x16xf32>
    %get3A_5 = arith.constant 0 : index
    %get3A_6 = arith.constant 0 : index
    %get3A_7 = vector.load %arg3[%get3A_5, %get3A_6] : memref<16x128xf32, #tpu.memory_space<vmem>>, vector<16x128xf32>
    %dot_general3A = arith.constant dense<0.000000e+00> : vector<512x128xf32>
    %dot_general3A_8 = tpu.matmul %get3A_4, %get3A_7, %dot_general3A {dimension_numbers = #tpu.dot_dimension_numbers<[1], [0], [0], [1], [0, 0, 1, 1], [], []>, transpose_lhs_hint = false} : vector<512x16xf32>, vector<16x128xf32>, vector<512x128xf32> -> vector<512x128xf32>
    %add3A = arith.addf %get3A_1, %dot_general3A_8 : vector<512x128xf32>
    %get3A_9 = arith.constant 0 : index
    %get3A_10 = arith.constant 0 : index
    %get3A_11 = vector.load %arg4[%get3A_9, %get3A_10] : memref<1x128xf32, #tpu.memory_space<vmem>>, vector<1x128xf32>
    %add3A_12 = vector.broadcast %get3A_11 : vector<1x128xf32> to vector<512x128xf32>
    %add3A_13 = arith.addf %add3A, %add3A_12 : vector<512x128xf32>
    %max3A = arith.constant 0.000000e+00 : f32
    %max3A_14 = vector.broadcast %max3A : f32 to vector<512x128xf32>
    %max3A_15 = arith.maximumf %add3A_13, %max3A_14 : vector<512x128xf32>
    %get3A_16 = arith.constant 0 : index
    %get3A_17 = arith.constant 0 : index
    %get3A_18 = vector.load %arg5[%get3A_16, %get3A_17] : memref<128x128xf32, #tpu.memory_space<vmem>>, vector<128x128xf32>
    %dot_general3A_19 = arith.constant dense<0.000000e+00> : vector<512x128xf32>
    %dot_general3A_20 = tpu.matmul %max3A_15, %get3A_18, %dot_general3A_19 {dimension_numbers = #tpu.dot_dimension_numbers<[1], [0], [0], [1], [0, 0, 1, 1], [], []>, transpose_lhs_hint = false} : vector<512x128xf32>, vector<128x128xf32>, vector<512x128xf32> -> vector<512x128xf32>
    %get3A_21 = arith.constant 0 : index
    %get3A_22 = arith.constant 0 : index
    %get3A_23 = vector.load %arg6[%get3A_21, %get3A_22] : memref<1x128xf32, #tpu.memory_space<vmem>>, vector<1x128xf32>
    %add3A_24 = vector.broadcast %get3A_23 : vector<1x128xf32> to vector<512x128xf32>
    %add3A_25 = arith.addf %dot_general3A_20, %add3A_24 : vector<512x128xf32>
    %max3A_26 = arith.constant 0.000000e+00 : f32
    %max3A_27 = vector.broadcast %max3A_26 : f32 to vector<512x128xf32>
    %max3A_28 = arith.maximumf %add3A_25, %max3A_27 : vector<512x128xf32>
    %get3A_29 = arith.constant 0 : index
    %get3A_30 = arith.constant 0 : index
    %get3A_31 = vector.load %arg7[%get3A_29, %get3A_30] : memref<1x128xf32, #tpu.memory_space<vmem>>, vector<1x128xf32>
    %mul3A = vector.broadcast %get3A_31 : vector<1x128xf32> to vector<512x128xf32>
    %mul3A_32 = arith.mulf %max3A_28, %mul3A : vector<512x128xf32>
    %reduce_sum3A = arith.constant dense<0.000000e+00> : vector<512xf32>
    %reduce_sum3A_33 = vector.multi_reduction <add>, %mul3A_32, %reduce_sum3A [1] : vector<512x128xf32> to vector<512xf32>
    %broadcast_in_dim3A = vector.shape_cast %reduce_sum3A_33 : vector<512xf32> to vector<512x1xf32>
    %get3A_34 = arith.constant 0 : index
    %get3A_35 = arith.constant 0 : index
    %get3A_36 = vector.load %arg8[%get3A_34, %get3A_35] : memref<1x1xf32, #tpu.memory_space<vmem>>, vector<1x1xf32>
    %add3A_37 = vector.broadcast %get3A_36 : vector<1x1xf32> to vector<512x1xf32>
    %add3A_38 = arith.addf %broadcast_in_dim3A, %add3A_37 : vector<512x1xf32>
    %logistic3A = arith.negf %add3A_38 : vector<512x1xf32>
    %logistic3A_39 = math.exp %logistic3A : vector<512x1xf32>
    %logistic3A_40 = arith.constant 1.000000e+00 : f32
    %logistic3A_41 = vector.broadcast %logistic3A_40 : f32 to vector<512x1xf32>
    %logistic3A_42 = arith.addf %logistic3A_41, %logistic3A_39 : vector<512x1xf32>
    %logistic3A_43 = arith.divf %logistic3A_41, %logistic3A_42 : vector<512x1xf32>
    %mul3A_44 = vector.broadcast %logistic3A_43 : vector<512x1xf32> to vector<512x128xf32>
    %mul3A_45 = arith.mulf %max3A_28, %mul3A_44 : vector<512x128xf32>
    %swap3A = arith.constant 0 : index
    %swap3A_46 = arith.constant 0 : index
    %swap3A_47 = vector.load %arg9[%swap3A, %swap3A_46] : memref<512x128xf32, #tpu.memory_space<vmem>>, vector<512x128xf32>
    tpu.vector_store %arg9[%swap3A, %swap3A_46], %mul3A_45 {strides = array<i32>} : memref<512x128xf32, #tpu.memory_space<vmem>>, vector<512x128xf32>,
    return
  }
  func.func @transform_0(%arg0: i32) -> (i32, i32) {
    %c0_i32 = arith.constant 0 : i32
    %c0_i32_0 = arith.constant 0 : i32
    return %arg0, %c0_i32 : i32, i32
  }
  func.func @transform_1(%arg0: i32) -> (i32, i32) {
    %c0_i32 = arith.constant 0 : i32
    %c0_i32_0 = arith.constant 0 : i32
    return %arg0, %c0_i32 : i32, i32
  }
  func.func @transform_2(%arg0: i32) -> (i32, i32) {
    %c0_i32 = arith.constant 0 : i32
    %c0_i32_0 = arith.constant 0 : i32
    %c0_i32_1 = arith.constant 0 : i32
    return %c0_i32, %c0_i32_0 : i32, i32
  }
  func.func @transform_3(%arg0: i32) -> (i32, i32) {
    %c0_i32 = arith.constant 0 : i32
    %c0_i32_0 = arith.constant 0 : i32
    %c0_i32_1 = arith.constant 0 : i32
    return %c0_i32, %c0_i32_0 : i32, i32
  }
  func.func @transform_4(%arg0: i32) -> (i32, i32) {
    %c0_i32 = arith.constant 0 : i32
    %c0_i32_0 = arith.constant 0 : i32
    %c0_i32_1 = arith.constant 0 : i32
    return %c0_i32, %c0_i32_0 : i32, i32
  }
  func.func @transform_5(%arg0: i32) -> (i32, i32) {
    %c0_i32 = arith.constant 0 : i32
    %c0_i32_0 = arith.constant 0 : i32
    %c0_i32_1 = arith.constant 0 : i32
    return %c0_i32, %c0_i32_0 : i32, i32
  }
  func.func @transform_6(%arg0: i32) -> (i32, i32) {
    %c0_i32 = arith.constant 0 : i32
    %c0_i32_0 = arith.constant 0 : i32
    %c0_i32_1 = arith.constant 0 : i32
    return %c0_i32, %c0_i32_0 : i32, i32
  }
  func.func @transform_7(%arg0: i32) -> (i32, i32) {
    %c0_i32 = arith.constant 0 : i32
    %c0_i32_0 = arith.constant 0 : i32
    %c0_i32_1 = arith.constant 0 : i32
    return %c0_i32, %c0_i32_0 : i32, i32
  }
  func.func @transform_8(%arg0: i32) -> (i32, i32) {
    %c0_i32 = arith.constant 0 : i32
    %c0_i32_0 = arith.constant 0 : i32
    return %arg0, %c0_i32 : i32, i32
  }
}

module attributes {stable_mosaic.version = 14 : i64} {
  func.func @_node_body(%arg0: i32, %arg1: memref<1000x128xf32, #tpu.memory_space<vmem>>, %arg2: memref<1000x128xf32, #tpu.memory_space<vmem>>, %arg3: memref<1000x128xf32, #tpu.memory_space<vmem>>, %arg4: memref<128x128xf32, #tpu.memory_space<vmem>>, %arg5: memref<128x128xf32, #tpu.memory_space<vmem>>, %arg6: memref<1x128xf32, #tpu.memory_space<vmem>>, %arg7: memref<128x128xf32, #tpu.memory_space<vmem>>, %arg8: memref<1x128xf32, #tpu.memory_space<vmem>>, %arg9: memref<1000x128xf32, #tpu.memory_space<vmem>>) attributes {dimension_semantics = [#tpu.dimension_semantics<arbitrary>], iteration_bounds = array<i64: 10>, scalar_prefetch = 0 : i64, scratch_operands = 0 : i64, tpu.core_type = #tpu.core_type<tc>, window_params = [{transform_indices = @transform_0, window_bounds = array<i64: 1000, 128>}, {transform_indices = @transform_1, window_bounds = array<i64: 1000, 128>}, {transform_indices = @transform_2, window_bounds = array<i64: 1000, 128>}, {pipeline_mode = #tpu.pipeline_mode<synchronous>, transform_indices = @transform_3, window_bounds = array<i64: 128, 128>}, {pipeline_mode = #tpu.pipeline_mode<synchronous>, transform_indices = @transform_4, window_bounds = array<i64: 128, 128>}, {pipeline_mode = #tpu.pipeline_mode<synchronous>, transform_indices = @transform_5, window_bounds = array<i64: 1, 128>}, {pipeline_mode = #tpu.pipeline_mode<synchronous>, transform_indices = @transform_6, window_bounds = array<i64: 128, 128>}, {pipeline_mode = #tpu.pipeline_mode<synchronous>, transform_indices = @transform_7, window_bounds = array<i64: 1, 128>}, {transform_indices = @transform_8, window_bounds = array<i64: 1000, 128>}]} {
    %get3A = arith.constant 0 : index
    %get3A_0 = arith.constant 0 : index
    %get3A_1 = vector.load %arg1[%get3A, %get3A_0] : memref<1000x128xf32, #tpu.memory_space<vmem>>, vector<1000x128xf32>
    %get3A_2 = arith.constant 0 : index
    %get3A_3 = arith.constant 0 : index
    %get3A_4 = vector.load %arg2[%get3A_2, %get3A_3] : memref<1000x128xf32, #tpu.memory_space<vmem>>, vector<1000x128xf32>
    %add3A = arith.addf %get3A_1, %get3A_4 : vector<1000x128xf32>
    %get3A_5 = arith.constant 0 : index
    %get3A_6 = arith.constant 0 : index
    %get3A_7 = vector.load %arg4[%get3A_5, %get3A_6] : memref<128x128xf32, #tpu.memory_space<vmem>>, vector<128x128xf32>
    %dot_general3A = arith.constant dense<0.000000e+00> : vector<1000x128xf32>
    %dot_general3A_8 = tpu.matmul %add3A, %get3A_7, %dot_general3A {dimension_numbers = #tpu.dot_dimension_numbers<[1], [0], [0], [1], [0, 0, 1, 1], [], []>, transpose_lhs_hint = false} : vector<1000x128xf32>, vector<128x128xf32>, vector<1000x128xf32> -> vector<1000x128xf32>
    %get3A_9 = arith.constant 0 : index
    %get3A_10 = arith.constant 0 : index
    %get3A_11 = vector.load %arg3[%get3A_9, %get3A_10] : memref<1000x128xf32, #tpu.memory_space<vmem>>, vector<1000x128xf32>
    %get3A_12 = arith.constant 0 : index
    %get3A_13 = arith.constant 0 : index
    %get3A_14 = vector.load %arg5[%get3A_12, %get3A_13] : memref<128x128xf32, #tpu.memory_space<vmem>>, vector<128x128xf32>
    %dot_general3A_15 = arith.constant dense<0.000000e+00> : vector<1000x128xf32>
    %dot_general3A_16 = tpu.matmul %get3A_11, %get3A_14, %dot_general3A_15 {dimension_numbers = #tpu.dot_dimension_numbers<[1], [0], [0], [1], [0, 0, 1, 1], [], []>, transpose_lhs_hint = false} : vector<1000x128xf32>, vector<128x128xf32>, vector<1000x128xf32> -> vector<1000x128xf32>
    %add3A_17 = arith.addf %dot_general3A_8, %dot_general3A_16 : vector<1000x128xf32>
    %get3A_18 = arith.constant 0 : index
    %get3A_19 = arith.constant 0 : index
    %get3A_20 = vector.load %arg6[%get3A_18, %get3A_19] : memref<1x128xf32, #tpu.memory_space<vmem>>, vector<1x128xf32>
    %add3A_21 = vector.broadcast %get3A_20 : vector<1x128xf32> to vector<1000x128xf32>
    %add3A_22 = arith.addf %add3A_17, %add3A_21 : vector<1000x128xf32>
    %max3A = arith.constant 0.000000e+00 : f32
    %max3A_23 = vector.broadcast %max3A : f32 to vector<1000x128xf32>
    %max3A_24 = arith.maximumf %add3A_22, %max3A_23 : vector<1000x128xf32>
    %get3A_25 = arith.constant 0 : index
    %get3A_26 = arith.constant 0 : index
    %get3A_27 = vector.load %arg7[%get3A_25, %get3A_26] : memref<128x128xf32, #tpu.memory_space<vmem>>, vector<128x128xf32>
    %dot_general3A_28 = arith.constant dense<0.000000e+00> : vector<1000x128xf32>
    %dot_general3A_29 = tpu.matmul %max3A_24, %get3A_27, %dot_general3A_28 {dimension_numbers = #tpu.dot_dimension_numbers<[1], [0], [0], [1], [0, 0, 1, 1], [], []>, transpose_lhs_hint = false} : vector<1000x128xf32>, vector<128x128xf32>, vector<1000x128xf32> -> vector<1000x128xf32>
    %get3A_30 = arith.constant 0 : index
    %get3A_31 = arith.constant 0 : index
    %get3A_32 = vector.load %arg8[%get3A_30, %get3A_31] : memref<1x128xf32, #tpu.memory_space<vmem>>, vector<1x128xf32>
    %add3A_33 = vector.broadcast %get3A_32 : vector<1x128xf32> to vector<1000x128xf32>
    %add3A_34 = arith.addf %dot_general3A_29, %add3A_33 : vector<1000x128xf32>
    %swap3A = arith.constant 0 : index
    %swap3A_35 = arith.constant 0 : index
    %swap3A_36 = vector.load %arg9[%swap3A, %swap3A_35] : memref<1000x128xf32, #tpu.memory_space<vmem>>, vector<1000x128xf32>
    tpu.vector_store %arg9[%swap3A, %swap3A_35], %add3A_34 {strides = array<i32>} : memref<1000x128xf32, #tpu.memory_space<vmem>>, vector<1000x128xf32>,
    return
  }
  func.func @transform_0(%arg0: i32) -> (i32, i32) {
    %c0_i32 = arith.constant 0 : i32
    %c0_i32_0 = arith.constant 0 : i32
    return %arg0, %c0_i32 : i32, i32
  }
  func.func @transform_1(%arg0: i32) -> (i32, i32) {
    %c0_i32 = arith.constant 0 : i32
    %c0_i32_0 = arith.constant 0 : i32
    return %arg0, %c0_i32 : i32, i32
  }
  func.func @transform_2(%arg0: i32) -> (i32, i32) {
    %c0_i32 = arith.constant 0 : i32
    %c0_i32_0 = arith.constant 0 : i32
    return %arg0, %c0_i32 : i32, i32
  }
  func.func @transform_3(%arg0: i32) -> (i32, i32) {
    %c0_i32 = arith.constant 0 : i32
    %c0_i32_0 = arith.constant 0 : i32
    %c0_i32_1 = arith.constant 0 : i32
    return %c0_i32, %c0_i32_0 : i32, i32
  }
  func.func @transform_4(%arg0: i32) -> (i32, i32) {
    %c0_i32 = arith.constant 0 : i32
    %c0_i32_0 = arith.constant 0 : i32
    %c0_i32_1 = arith.constant 0 : i32
    return %c0_i32, %c0_i32_0 : i32, i32
  }
  func.func @transform_5(%arg0: i32) -> (i32, i32) {
    %c0_i32 = arith.constant 0 : i32
    %c0_i32_0 = arith.constant 0 : i32
    %c0_i32_1 = arith.constant 0 : i32
    return %c0_i32, %c0_i32_0 : i32, i32
  }
  func.func @transform_6(%arg0: i32) -> (i32, i32) {
    %c0_i32 = arith.constant 0 : i32
    %c0_i32_0 = arith.constant 0 : i32
    %c0_i32_1 = arith.constant 0 : i32
    return %c0_i32, %c0_i32_0 : i32, i32
  }
  func.func @transform_7(%arg0: i32) -> (i32, i32) {
    %c0_i32 = arith.constant 0 : i32
    %c0_i32_0 = arith.constant 0 : i32
    %c0_i32_1 = arith.constant 0 : i32
    return %c0_i32, %c0_i32_0 : i32, i32
  }
  func.func @transform_8(%arg0: i32) -> (i32, i32) {
    %c0_i32 = arith.constant 0 : i32
    %c0_i32_0 = arith.constant 0 : i32
    return %arg0, %c0_i32 : i32, i32
  }
}

</mosaic_0001>

<sc_bundles>
// kernel: kernel.10.cloned.1.call-start
scs
__scs_entry_jumppad:
0x0: {  	(pc) =	sbr.rel $0x88, $3  }
0x1: {  	(tag) =	ssettag $0x0;
	lr =	simm.s32 $0x1  }
0x2: {  	[smem:$0x3F94] =	sst lr;
	_ =	strace $0xD0000000  }
0x3: {  	_ = 	snop  }
0x4: {  	_ = 	snop  }
0x5: {  	_ = 	snop  }
0x6: {  	_ = 	snop  }
0x7: {  	_ = 	snop  }
__scs_overlays_trampoline_lowered:
0x8: {  	[smem:$0x3FA3] =	sst s0  }
0x9: {  	[smem:$0x3FA4] =	sst s1  }
0xa: {  	[smem:$0x3FA5] =	sst s2  }
0xb: {  	[smem:$0x3FA6] =	sst s3  }
0xc: {  	[smem:$0x3FA7] =	sst s4  }
0xd: {  	[smem:$0x3FA8] =	sst s5  }
0xe: {  	[smem:$0x3FA9] =	sst s6  }
0xf: {  	[smem:$0x3FAA] =	sst s7  }
0x10: {  	[smem:$0x3FAB] =	sst s8  }
0x11: {  	[smem:$0x3FAC] =	sst s9;
	s0 =	simm.s32 @!p0 $0x0  }
0x12: {  	s1 =	sld [smem:$0x3F92];
	s0 =	simm.s32 @p0 $0x1  }
0x13: {  	[smem:$0x3FAD] =	sst s0;
	s0 =	simm.s32 @!p1 $0x0  }
0x14: {  	s2 =	sld [smem:$0x3F91];
	s0 =	simm.s32 @p1 $0x1  }
0x15: {  	[smem:$0x3FAE] =	sst s0;
	s0 =	simm.s32 @!p2 $0x0  }
0x16: {  	s3 =	sld [smem:$0x3FDB];
	s0 =	simm.s32 @p2 $0x1  }
0x17: {  	s4 =	simm.s32 $0x1BF5;
	[smem:$0x3FB0] =	sst s0  }
0x18: {  	s0 =	sld [smem:$0x3F93];
	_ =	swait.ge [sflag:s4], $0x0  }
0x19: {  	s7 =	sld [smem:$0x3F94]  }
0x1a: {  	s8 =	sadd.s32 $0xFFFFE003, lr  }
0x1b: {  	s9 =	sadd.s32 $0xFFFFFEF7, lr;
	s5 =	simm.s32 $0xFFFFFFFF;
	p2 =	slt.u32 s8, $0xFFFFF086  }
0x1c: {  	p1 =	slt.u32 s9, $0xF7A;
	s5 =	simm.s32 @!p2 $0x0  }
0x1d: {  	s5 =	simm.s32 @p1 $0x1;
	p0 =	seq.s32 s7, s2  }
0x1e: {  	s7 =	smul.u32 @!p0 $0xF7A, s2;
	p2 =	seq.s32 @!p0 s5, $0x0  }
0x1f: {  	s9 =	smul.u32 $0xF7A, s1;
	s8 =	simm.s32 @!p0 $0x1BF5;
	p2 =	por !p2, p0  }
0x20: {  	[sflag:s8] =	ssyncset.s32 @!p0 $0xFFFFF086;
	s6 =	sadd.s32 @!p0 s3, s7;
	s7 =	simm.s32 @!p0 $0x108  }
0x21: {  	s3 =	sadd.s32 s3, s9;
	s6 =	sadd.s32 @!p0 $0x88, s6;
	s7 =	simm.s32 @p2 $0x1082  }
0x22: {  	[simem:s7], [sflag:s8] =	dma.local @!p0 [hbm:s6], $0xF7A  }
0x23: {  	s9 =	sor.u32 $0xD0000000, s2;
	s6 =	simm.s32 $0x108;
	_ =	swait.ge @!p0 [sflag:s8], $0x0  }
0x24: {  	s3 =	sadd.s32 $0x88, s3;
	s6 =	simm.s32 @!p1 $0x1082;
	[sflag:s4] =	ssyncset.s32 $0xFFFFF086  }
0x25: {  	[simem:s6], [sflag:s4] =	dma.local [hbm:s3], $0xF7A  }
0x26: {  	[smem:$0x3F94] =	sst s1;
	(tag) =	ssettag s2;
	_ =	strace s9  }
0x27: {  	s1 =	sld [smem:$0x3FA4]  }
0x28: {  	s2 =	sld [smem:$0x3FA5]  }
0x29: {  	s4 =	sld [smem:$0x3FA7]  }
0x2a: {  	p0 =	seq.s32 s5, $0x0;
	s5 =	sld [smem:$0x3FA8]  }
0x2b: {  	s6 =	sld [smem:$0x3FA9]  }
0x2c: {  	s7 =	sld [smem:$0x3FAA]  }
0x2d: {  	s3 =	simm.s32 $0x108;
	s8 =	sld [smem:$0x3FAB]  }
0x2e: {  	s3 =	simm.s32 @!p0 $0x1082;
	s9 =	sld [smem:$0x3FAC]  }
0x2f: {  	lr =	sadd.s32 s0, s3;
	s0 =	sld [smem:$0x3FA3]  }
0x30: {  	s3 =	sld [smem:$0x3FA6]  }
0x31: {  	[smem:$0x3FAF] =	sst s10  }
0x32: {  	s10 =	sld [smem:$0x3FAD];
	_ =	sdelay $0x3  }
0x33: {  	p0 =	seq.s32 s10, $0x1;
	s10 =	sld [smem:$0x3FAF];
	_ =	sdelay $0x3  }
0x34: {  	[smem:$0x3FAF] =	sst s10  }
0x35: {  	s10 =	sld [smem:$0x3FAE];
	_ =	sdelay $0x3  }
0x36: {  	p1 =	seq.s32 s10, $0x1;
	s10 =	sld [smem:$0x3FAF];
	_ =	sdelay $0x3  }
0x37: {  	[smem:$0x3FAF] =	sst s10  }
0x38: {  	s10 =	sld [smem:$0x3FB0]  }
0x39: {  	_ = 	snop;
	(pc) =	sbr.ind lr, $3  }
0x3a: {  	_ = 	snop  }
0x3b: {  	_ = 	snop  }
0x3c: {  	p2 =	seq.s32 s10, $0x1;
	s10 =	sld [smem:$0x3FAF]  }
0x3d: {  	_ =	shalt  }
0x3e: {  	_ =	shalt  }
0x3f: {  	_ =	shalt  }
0x40: {  	_ =	shalt  }
0x41: {  	_ =	shalt  }
0x42: {  	_ =	shalt  }
0x43: {  	_ =	shalt  }
0x44: {  	_ =	shalt  }
0x45: {  	_ =	shalt  }
0x46: {  	_ =	shalt  }
0x47: {  	_ =	shalt  }
0x48: {  	_ =	shalt  }
0x49: {  	_ =	shalt  }
0x4a: {  	_ =	shalt  }
0x4b: {  	_ =	shalt  }
0x4c: {  	_ =	shalt  }
0x4d: {  	_ =	shalt  }
0x4e: {  	_ =	shalt  }
0x4f: {  	_ =	shalt  }
0x50: {  	_ =	shalt  }
0x51: {  	_ =	shalt  }
0x52: {  	_ =	shalt  }
0x53: {  	_ =	shalt  }
0x54: {  	_ =	shalt  }
0x55: {  	_ =	shalt  }
0x56: {  	_ =	shalt  }
0x57: {  	_ =	shalt  }
0x58: {  	_ =	shalt  }
0x59: {  	_ =	shalt  }
0x5a: {  	_ =	shalt  }
0x5b: {  	_ =	shalt  }
0x5c: {  	_ =	shalt  }
0x5d: {  	_ =	shalt  }
0x5e: {  	_ =	shalt  }
0x5f: {  	_ =	shalt  }
0x60: {  	_ =	shalt  }
0x61: {  	_ =	shalt  }
0x62: {  	_ =	shalt  }
0x63: {  	_ =	shalt  }
0x64: {  	_ =	shalt  }
0x65: {  	_ =	shalt  }
0x66: {  	_ =	shalt  }
0x67: {  	_ =	shalt  }
0x68: {  	_ =	shalt  }
0x69: {  	_ =	shalt  }
0x6a: {  	_ =	shalt  }
0x6b: {  	_ =	shalt  }
0x6c: {  	_ =	shalt  }
0x6d: {  	_ =	shalt  }
0x6e: {  	_ =	shalt  }
0x6f: {  	_ =	shalt  }
0x70: {  	_ =	shalt  }
0x71: {  	_ =	shalt  }
0x72: {  	_ =	shalt  }
0x73: {  	_ =	shalt  }
0x74: {  	_ =	shalt  }
0x75: {  	_ =	shalt  }
0x76: {  	_ =	shalt  }
0x77: {  	_ =	shalt  }
0x78: {  	_ =	shalt  }
0x79: {  	_ =	shalt  }
0x7a: {  	_ =	shalt  }
0x7b: {  	_ =	shalt  }
0x7c: {  	_ =	shalt  }
0x7d: {  	_ =	shalt  }
0x7e: {  	_ =	shalt  }
0x7f: {  	_ =	shalt  }
0x80: {  	_ =	shalt  }
0x81: {  	_ =	shalt  }
0x82: {  	_ =	shalt  }
0x83: {  	_ =	shalt  }
0x84: {  	_ =	shalt  }
0x85: {  	_ =	shalt  }
0x86: {  	_ =	shalt  }
0x87: {  	_ =	shalt  }
.Lfunc_end0:
.L_simem_size_0:
called_computation.1_lowered:
.L_overlay_start_0:
0x88: {  	s2 =	sld [smem:$0x3FD9]  }
0x89: {  	s3 =	sld [smem:$0x3FFE];
	_ =	sdelay $0x1  }
0x8a: {  	s1 =	srdreg.scid  }
0x8b: {  	s0 =	sand.u32 $0x1, s1  }
0x8c: {  	s16 =	sshll.u32 s0, $0xA;
	s2 =	sadd.s32 s3, s2  }
0x8d: {  	s2 =	sadd.s32 s2, s16  }
0x8e: {  	[smem:$0x3FBB] =	sst s2  }
0x8f: {  	_ = 	snop  }
0x90: {  	(tm) =	ssettm $0x1  }
0x91: {  	s17 =	sld [smem:$0x3FFB];
	_ =	sdelay $0x3  }
0x92: {  	_ =	strace s17  }
0x93: {  	s2 =	sld [smem:$0x3FFC];
	_ =	sdelay $0x3  }
0x94: {  	_ =	strace s2  }
0x95: {  	s2 =	sld [smem:$0x3FFD];
	_ =	sdelay $0x3  }
0x96: {  	_ =	strace s2  }
0x97: {  	_ =	strace $0x8FFFFFFF  }
0x98: {  	s18 =	sld [smem:$0x3FDB];
	_ =	sdelay $0x1  }
0x99: {  	s19 =	simm.s32 $_scs_section_size  }
0x9a: {  	s4 =	simm.s32 $_size__tile_overlayer_lowered;
	s5 =	simm.s32 $_tile_overlayer_lowered  }
0x9b: {  	s22 =	simm.s32 $0x1BFF;
	s21 =	sshll.u32 s5, $0x1;
	s2 =	sadd.s32 s19, s18  }
0x9c: {  	s6 =	simm.s32 $0x0;
	s20 =	sshll.u32 s4, $0x1;
	s4 =	sadd.s32 s21, s2  }
0x9d: {  	[timem:s6], [sflag:s22] =	dma.local [hbm:s4], s20  }
0x9e: {  	_ =	swait.ge [sflag:s22], s20  }
0x9f: {  	s3 =	ssub.s32 $0x0, s20;
	[sflag:s22] =	ssyncset.done $0x0  }
0xa0: {  	[sflag:s22] =	ssyncadd.s32 s3;
	_ =	sdelay $0x1  }
0xa1: {  	s23 =	simm.s32 $0x1B8B  }
0xa2: {  	_ =	swait.ge [sflag:s23], $0x1  }
0xa3: {  	[sflag:s23] =	ssyncset.done $0x0  }
0xa4: {  	s25 =	simm.s32 $0x1B8E;
	s24 =	sld [smem:$0x3FFE];
	[sflag:s23] =	ssyncadd.s32 $0xFFFFFFFF  }
0xa5: {  	s26 =	simm.s32 $execute0_lowered;
	[smem:$0x3FD2] =	sst s25  }
0xa6: {  	s4 =	sshll.u32 s26, $0x1;
	_ =	strace $0x80000049;
	[dreg:$0x1] =	wrdreg $0xFFFFFFFF  }
0xa7: {  	s28 =	simm.s32 $_size_execute0_lowered;
	s2 =	sadd.s32 s2, s4;
	[dreg:$0x0] =	wrdreg $0x0  }
0xa8: {  	s4 =	sshll.u32 s28, $0x1;
	[dreg:$0x2] =	wrdreg s2  }
0xa9: {  	[dreg:$0x3] =	wrdreg s4  }
0xaa: {  	[dreg:$0x4] =	wrdreg $0xC0  }
0xab: {  	_ =	task [dreg:s6], $0x5FFFF  }
0xac: {  	[dreg:$0x1] =	wrdreg $0xFFFFFFFF  }
0xad: {  	[dreg:$0x0] =	wrdreg $0x60  }
0xae: {  	[dreg:$0x2] =	wrdreg s24  }
0xaf: {  	[dreg:$0x3] =	wrdreg $0x91000  }
0xb0: {  	[dreg:$0x4] =	wrdreg $0x9  }
0xb1: {  	_ =	task.clear_ibuf [dreg:s6], $0x5FFFF;
	_ =	strace $0x90000049  }
0xb2: {  	s29 =	simm.s32 $0x9;
	_ =	strace $0x8000004B  }
0xb3: {  	_ =	swait.ge [sflag:s29], $0x1  }
0xb4: {  	[sflag:s29] =	ssyncadd.s32 $0xFFFFFFFF  }
0xb5: {  	_ =	strace $0x9000004B  }
0xb6: {  	_ =	sfence  }
0xb7: {  	s30 =	sld [smem:$0x0];
	_ =	sdelay $0x2  }
0xb8: {  	s31 =	sshll.u32 s1, $0xD;
	s1 =	sshrl.u32 s1, $0x2  }
0xb9: {  	s3 =	sand.u32 $0x4000, s31;
	s1 =	sadd.s32 s1, s30  }
0xba: {  	s0 =	sor.u32 s3, s0;
	s1 =	sshll.u32 s1, $0x11  }
0xbb: {  	s0 =	sor.u32 s1, s0  }
0xbc: {  	s0 =	sadd.s32 $0x8F2B, s0  }
0xbd: {  	[sflag:s0] =	ssyncadd.remote.s32 $0x1  }
0xbe: {  	_ =	sfence.sel $0xFFFF  }
0xbf: {  	[dreg:$0x0] =	wrdreg $0xFFFFFFFF;
	(pc) =	sbr.abs _section_cstart, $3  }
0xc0: {  	[dreg:$0x1] =	wrdreg $0xFFFFFFFF  }
0xc1: {  	_ =	task.clear_ibuf [dreg:s6], $0x2FFFF;
	_ =	strace $0x9FFFFFFF  }
0xc2: {  	(tm) =	ssettm $0x7FFFFFFF  }
0xc3: {  	_ =	shalt  }
tec
execute0_lowered:
.L_overlay_start_1:
0x0: {  	(tag) =	ssettag $0x1  }
0x1: {  	s0 =	rddreg [dreg:$0x0]  }
0x2: {  	s1 =	rddreg [dreg:$0x1];
	s24 =	stileid.u32  }
0x3: {  	s3 =	simm.s32 $0x0;
	s2 =	srdreg.scid;
	s5 =	smul.u32 $0x14000, s24  }
0x4: {  	s19 =	simm.s32 $0x100;
	s20 =	simm.s32 $0x50;
	s25 =	smul.u32 $0x2710, s24  }
0x5: {  	s21 =	simm.s32 $0x1;
	s22 =	simm.s32 $0x2;
	s8 =	smul.u32 $0x50000, s24  }
0x6: {  	s23 =	simm.s32 $0x0;
	s12 =	sand.u32 $0x1, s2;
	s30 =	smul.u32 $0x27100, s24  }
0x7: {  	[smem:$0x7FF] =	sst s3;
	s14 =	sadd.s32 $0xA01600, s0;
	s4 =	smul.u32 $0x140000, s12  }
0x8: {  	s16 =	sadd.s32 $0xC400, s0;
	s6 =	smul.u32 $0x27100, s12;
	s7 =	ssub.s32 $0x2, s12  }
0x9: {  	_ =	strace $0x8000004A;
	s18 =	smul.u32 $0x271000, s12;
	s26 =	sshrl.u32 s7, $0x1  }
0xa: {  	s28 =	sshrl.u32 s8, $0x2;
	s4 =	sadd.s32 s5, s4;
	s15 =	sadd.s32 s25, s6  }
0xb: {  	s9 =	ssub.s32 s7, s26;
	s18 =	sadd.s32 s18, s14;
	s4 =	sshrl.u32 s4, $0x3  }
0xc: {  	s5 =	sshrl.u32 s15, $0x3;
	s6 =	sshll.u32 s15, $0x4;
	s17 =	sadd.s32 $0x50, s15  }
0xd: {  	s8 =	smax.u32 s9, $0x1;
	s15 =	sadd.s32 $0xA0, s15;
	s0 =	sadd.s32 s4, s0  }
0xe: {  	s4 =	sadd.s32 s28, s1;
	s5 =	sadd.s32 s16, s5;
	s6 =	sadd.s32 s14, s6  }
0xf: {  	s29 =	sshrl.u32 s17, $0x3;
	s17 =	sshll.u32 s17, $0x4;
	s31 =	sshrl.u32 s15, $0x3  }
0x10: {  	s7 =	sadd.s32 $0x16200, s0;
	s9 =	sadd.s32 $0x4000, s4;
	s10 =	sadd.s32 $0x8000, s4  }
0x11: {  	s11 =	sadd.s32 $0xC000, s4;
	s12 =	sadd.s32 $0x10000, s4;
	s13 =	sadd.s32 s16, s29  }
0x12: {  	s14 =	sadd.s32 s14, s17;
	s0 =	sadd.s32 s30, s18;
	s16 =	sadd.s32 s31, s16  }
0x13: {  	v0 =	vimm.f32 $0.0e+00;
	s17 =	simm.s32 $0x5100;
	s18 =	simm.s32 $0x3;
	s15 =	sadd.s32 $0xA00, s0  }
.LBB2_1:
0x14: {  	s24 =	simm.s32 $0x0;
	s25 =	simm.s32 $0x200  }
.LBB2_2:
0x15: {  	p0 =	sne.s32 s25, $0xFE00;
	[tilespmem:s24+$0x5170] =	vst v0  }
0x16: {  	[tilespmem:s24+$0x5100] =	vst v0  }
0x17: {  	[tilespmem:s24+$0x5110] =	vst v0  }
.Ltmp0:
0x18: {  	[tilespmem:s24+$0x5120] =	vst v0;
	(pc) =	sbr.rel @p0 .LBB2_2-.Ltmp0, $4  }
0x19: {  	[tilespmem:s24+$0x5130] =	vst v0  }
0x1a: {  	[tilespmem:s24+$0x5140] =	vst v0  }
0x1b: {  	[tilespmem:s24+$0x5150] =	vst v0  }
0x1c: {  	[tilespmem:s24+$0x5160] =	vst v0;
	s24 =	sshra.s32 s25, $0x2;
	s25 =	sadd.s32 $0x200, s25  }
0x1d: {  	[tilespmem:s24+$0x5170] =	vst v0  }
0x1e: {  	[tilespmem:s24+$0x5100] =	vst v0  }
0x1f: {  	[tilespmem:s24+$0x5110] =	vst v0  }
0x20: {  	[tilespmem:s24+$0x5120] =	vst v0  }
0x21: {  	[tilespmem:s24+$0x5130] =	vst v0  }
0x22: {  	[tilespmem:s24+$0x5140] =	vst v0  }
0x23: {  	[tilespmem:s24+$0x5150] =	vst v0  }
0x24: {  	[tilespmem:s24+$0x5160] =	vst v0  }
0x25: {  	[spmem:s4] =	stream.linear.scatter [tilespmem:s17], [sflag:$0x3], $0x4000, $0x38;
	[tilespmem:$0x1D100] =	vst v63  }
0x26: {  	_ =	swait.ge [sflag:s18], $0x4000  }
0x27: {  	[sflag:s18] =	ssyncset.done $0x0  }
0x28: {  	[sflag:s18] =	ssyncadd.s32 $0xFFFFC000  }
0x29: {  	[spmem:s9] =	stream.linear.scatter [tilespmem:s17], [sflag:$0x3], $0x4000, $0x38;
	[tilespmem:$0x1D100] =	vst v63  }
0x2a: {  	_ =	swait.ge [sflag:s18], $0x4000  }
0x2b: {  	[sflag:s18] =	ssyncset.done $0x0  }
0x2c: {  	[sflag:s18] =	ssyncadd.s32 $0xFFFFC000  }
0x2d: {  	[spmem:s10] =	stream.linear.scatter [tilespmem:s17], [sflag:$0x3], $0x4000, $0x38;
	[tilespmem:$0x1D100] =	vst v63  }
0x2e: {  	_ =	swait.ge [sflag:s18], $0x4000  }
0x2f: {  	[sflag:s18] =	ssyncset.done $0x0  }
0x30: {  	[sflag:s18] =	ssyncadd.s32 $0xFFFFC000  }
0x31: {  	[spmem:s11] =	stream.linear.scatter [tilespmem:s17], [sflag:$0x3], $0x4000, $0x38;
	[tilespmem:$0x1D100] =	vst v63  }
0x32: {  	_ =	swait.ge [sflag:s18], $0x4000  }
0x33: {  	[sflag:s18] =	ssyncset.done $0x0  }
0x34: {  	[sflag:s18] =	ssyncadd.s32 $0xFFFFC000  }
0x35: {  	[spmem:s12] =	stream.linear.scatter [tilespmem:s17], [sflag:$0x3], $0x4000, $0x38;
	[tilespmem:$0x1D100] =	vst v63  }
0x36: {  	_ =	swait.ge [sflag:s18], $0x4000  }
0x37: {  	[sflag:s18] =	ssyncset.done $0x0  }
0x38: {  	[sflag:s18] =	ssyncadd.s32 $0xFFFFC000  }
0x39: {  	[bflag:$0x0] =	sbarrier.arrive $0xFFFF  }
0x3a: {  	[tilespmem:s3], [sflag:$0x1] =	stream.linear.gather [hbm4b:s5+s3], $0x50, $0x38;
	[tilespmem:$0x1D100] =	vst v63  }
0x3b: {  	s0 =	simm.s32 $0x1  }
0x3c: {  	[tilespmem:s19], [sflag:$0x1] =	stream.linear.gather [hbm4b:s6+s3], $0x2800, $0x38;
	[tilespmem:$0x1D100] =	vst v63  }
0x3d: {  	_ =	swait.ge [sflag:s0], $0x50  }
0x3e: {  	[sflag:s0] =	ssyncset.done $0x0  }
0x3f: {  	[sflag:s0] =	ssyncadd.s32 $0xFFFFFFB0  }
0x40: {  	_ =	swait.ge [sflag:s0], $0x2800  }
0x41: {  	[sflag:s0] =	ssyncset.done $0x0  }
0x42: {  	s2 =	simm.s32 $0x80;
	[sflag:s0] =	ssyncadd.s32 $0xFFFFD800  }
0x43: {  	[tilespmem:s2], [sflag:$0x1] =	stream.linear.gather [hbm4b:s13+s3], $0x50, $0x38;
	[tilespmem:$0x1D100] =	vst v63  }
0x44: {  	s25 =	simm.s32 $0x2900  }
0x45: {  	[tilespmem:s25], [sflag:$0x1] =	stream.linear.gather [hbm4b:s14+s3], $0x2800, $0x38;
	[tilespmem:$0x1D100] =	vst v63  }
0x46: {  	_ = 	snop  }
0x47: {  	[spmem:s1] =	stream.indirect.scatter.add.f32 [tilespmem:s19], [sflag:$0x2], $0x80, s3, s20, $0xb8;
	[tilespmem:$0x1D100] =	vst v63  }
0x48: {  	_ =	swait.ge [sflag:s0], $0x50  }
0x49: {  	[sflag:s0] =	ssyncset.done $0x0  }
0x4a: {  	[sflag:s0] =	ssyncadd.s32 $0xFFFFFFB0  }
0x4b: {  	_ =	swait.ge [sflag:s0], $0x2800  }
0x4c: {  	[sflag:s0] =	ssyncset.done $0x0  }
0x4d: {  	s28 =	simm.s32 $0x2;
	[sflag:s0] =	ssyncadd.s32 $0xFFFFD800;
	s0 =	sxor.u32 $0x1, s0  }
0x4e: {  	_ =	swait.ge [sflag:s28], $0x2800;
	s26 =	smul.u32 $0xA000, s0  }
0x4f: {  	s0 =	sshll.u32 s0, $0x7;
	[sflag:s28] =	ssyncset.done $0x0  }
0x50: {  	s0 =	sand.u32 $0x3FFFFF80, s0;
	[sflag:s28] =	ssyncadd.s32 $0xFFFFD800;
	s26 =	sshra.s32 s26, $0x2  }
0x51: {  	[tilespmem:s0], [sflag:$0x1] =	stream.linear.gather [hbm4b:s16+s3], $0x50, $0x38;
	[tilespmem:$0x1D100] =	vst v63  }
0x52: {  	s26 =	sor.u32 $0x100, s26  }
0x53: {  	[tilespmem:s26], [sflag:$0x1] =	stream.linear.gather [hbm4b:s15+s3], $0x2800, $0x38;
	[tilespmem:$0x1D100] =	vst v63  }
0x54: {  	_ = 	snop  }
0x55: {  	[spmem:s1] =	stream.indirect.scatter.add.f32 [tilespmem:s25], [sflag:$0x2], $0x80, s2, s20, $0xb8;
	[tilespmem:$0x1D100] =	vst v63  }
0x56: {  	_ =	swait.ge [sflag:s21], $0x50  }
0x57: {  	[sflag:s21] =	ssyncset.done $0x0  }
0x58: {  	s24 =	simm.s32 $0x3;
	s26 =	simm.s32 $0x4;
	[sflag:s21] =	ssyncadd.s32 $0xFFFFFFB0  }
0x59: {  	s2 =	sand.u32 $0x1, s28;
	s25 =	sadd.s32 $0xA, s16;
	_ =	swait.ge [sflag:s21], $0x2800  }
0x5a: {  	s28 =	sadd.s32 $0x500, s15;
	s29 =	sshll.u32 s2, $0x7;
	[sflag:s21] =	ssyncset.done $0x0  }
0x5b: {  	s30 =	smul.u32 $0xA000, s2;
	s31 =	sxor.u32 $0x1, s2;
	[sflag:s21] =	ssyncadd.s32 $0xFFFFD800  }
0x5c: {  	s0 =	sshll.u32 s31, $0x7;
	s31 =	smul.u32 $0xA000, s31;
	_ =	swait.ge [sflag:s22], $0x2800  }
.LBB2_4:
0x5d: {  	s0 =	sand.u32 $0x3FFFFF80, s0;
	s30 =	sshrl.u32 s30, $0x2  }
0x5e: {  	[sflag:s22] =	ssyncset.done $0x0;
	s2 =	smov.u32 s24;
	s24 =	smov.u32 s26  }
0x5f: {  	s31 =	sshra.s32 s31, $0x2;
	s30 =	sor.u32 $0x100, s30;
	[sflag:s22] =	ssyncadd.s32 $0xFFFFD800  }
0x60: {  	[tilespmem:s0], [sflag:$0x1] =	stream.linear.gather [hbm4b:s25+s3], $0x50, $0x38;
	[tilespmem:$0x1D100] =	vst v63  }
0x61: {  	p0 =	sne.s32 s26, $0x7C;
	s26 =	sadd.s32 $0x1, s26;
	s0 =	sor.u32 $0x100, s31  }
0x62: {  	[tilespmem:s0], [sflag:$0x1] =	stream.linear.gather [hbm4b:s28+s3], $0x2800, $0x38;
	[tilespmem:$0x1D100] =	vst v63  }
0x63: {  	_ = 	snop  }
0x64: {  	[spmem:s1] =	stream.indirect.scatter.add.f32 [tilespmem:s30], [sflag:$0x2], $0x80, s29, s20, $0xb8;
	[tilespmem:$0x1D100] =	vst v63  }
0x65: {  	_ =	swait.ge [sflag:s21], $0x50  }
0x66: {  	[sflag:s21] =	ssyncset.done $0x0  }
.Ltmp1:
0x67: {  	[sflag:s21] =	ssyncadd.s32 $0xFFFFFFB0;
	(pc) =	sbr.rel @p0 .LBB2_4-.Ltmp1, $4  }
0x68: {  	s25 =	sadd.s32 $0xA, s25;
	s0 =	sand.u32 $0x1, s2;
	_ =	swait.ge [sflag:s21], $0x2800  }
0x69: {  	s29 =	sshll.u32 s0, $0x7;
	s30 =	smul.u32 $0xA000, s0;
	[sflag:s21] =	ssyncset.done $0x0  }
0x6a: {  	s28 =	sadd.s32 $0x500, s28;
	s2 =	sxor.u32 $0x1, s0;
	[sflag:s21] =	ssyncadd.s32 $0xFFFFD800  }
0x6b: {  	s0 =	sshll.u32 s2, $0x7;
	s31 =	smul.u32 $0xA000, s2;
	_ =	swait.ge [sflag:s22], $0x2800  }
0x6c: {  	[sflag:s22] =	ssyncset.done $0x0  }
0x6d: {  	s0 =	sand.u32 $0x3FFFFF80, s0;
	s2 =	sshra.s32 s31, $0x2;
	[sflag:s22] =	ssyncadd.s32 $0xFFFFD800  }
0x6e: {  	[tilespmem:s0], [sflag:$0x1] =	stream.linear.gather [hbm4b:s25+s3], $0x50, $0x38;
	[tilespmem:$0x1D100] =	vst v63  }
0x6f: {  	s26 =	sshrl.u32 s30, $0x2;
	s2 =	sor.u32 $0x100, s2  }
0x70: {  	[tilespmem:s2], [sflag:$0x1] =	stream.linear.gather [hbm4b:s28+s3], $0x2800, $0x38;
	[tilespmem:$0x1D100] =	vst v63  }
0x71: {  	s0 =	sor.u32 $0x100, s26  }
0x72: {  	[spmem:s1] =	stream.indirect.scatter.add.f32 [tilespmem:s0], [sflag:$0x2], $0x80, s29, s20, $0xb8;
	[tilespmem:$0x1D100] =	vst v63  }
0x73: {  	_ =	swait.ge [sflag:s21], $0x50  }
0x74: {  	[sflag:s21] =	ssyncset.done $0x0  }
0x75: {  	[sflag:s21] =	ssyncadd.s32 $0xFFFFFFB0  }
0x76: {  	_ =	swait.ge [sflag:s21], $0x2800  }
0x77: {  	s28 =	sand.u32 $0x1, s24;
	[sflag:s21] =	ssyncset.done $0x0  }
0x78: {  	s29 =	smul.u32 $0xA000, s28;
	[sflag:s21] =	ssyncadd.s32 $0xFFFFD800  }
0x79: {  	_ =	swait.ge [sflag:s22], $0x2800  }
0x7a: {  	s2 =	sshrl.u32 s29, $0x2;
	[sflag:s22] =	ssyncset.done $0x0  }
0x7b: {  	s0 =	sshll.u32 s28, $0x7;
	s2 =	sor.u32 $0x100, s2;
	[sflag:s22] =	ssyncadd.s32 $0xFFFFD800  }
0x7c: {  	[spmem:s1] =	stream.indirect.scatter.add.f32 [tilespmem:s2], [sflag:$0x2], $0x80, s0, s20, $0xb8;
	[tilespmem:$0x1D100] =	vst v63  }
0x7d: {  	s30 =	stileid.u32;
	_ =	swait.ge [sflag:s22], $0x2800  }
0x7e: {  	s23 =	sadd.s32 $0x1, s23;
	s31 =	sshrl.u32 s4, $0x3;
	[sflag:s22] =	ssyncset.done $0x0  }
0x7f: {  	p0 =	sne.s32 s23, s8;
	s0 =	sshll.u32 s30, $0x6;
	[sflag:s22] =	ssyncadd.s32 $0xFFFFD800  }
.Ltmp2:
0x80: {  	s0 =	sor.u32 $0x1C03, s0;
	[bflag:$0x0] =	sbarrier.arrive $0xFFFF;
	(pc) =	sbr.rel @p0 .LBB2_1-.Ltmp2, $4  }
0x81: {  	[hbm:s7], [sflag:s0] =	dma.local [spmem:s31], $0x2800  }
0x82: {  	_ =	swait.ge [sflag:s18], $0x2800  }
0x83: {  	[sflag:s18] =	ssyncset.done $0x0  }
0x84: {  	[sflag:s18] =	ssyncadd.s32 $0xFFFFD800  }
0x85: {  	_ =	sfence.sel $0x180000  }
0x86: {  	[bflag:$0x0] =	sbarrier.arrive $0xFFFF  }
0x87: {  	_ =	strace $0x9000004A  }
0x88: {  	s0 =	stileid.u32;
	[bflag:$0x2] =	sbarrier.arrive $0xFFFF  }
0x89: {  	p0 =	sne.s32 s0, $0x0;
	s0 =	rddreg [dreg:$0x2]  }
0x8a: {  	s0 =	sadd.s32 @!p0 $0x100000, s0  }
0x8b: {  	[sflag:s0] =	ssyncadd.tile.s32 @!p0 $0x1;
	_ =	shalt  }
.Lfunc_end2:
_tile_overlayer_lowered:
.L_overlay_start_2:
0x8c: {  	(tag) =	ssettag $0x2  }
0x8d: {  	s0 =	rddreg [dreg:$0x0];
	s2 =	stileid.u32  }
0x8e: {  	s1 =	rddreg [dreg:$0x1];
	p0 =	sne.s32 s2, $0x0  }
0x8f: {  	s3 =	rddreg [dreg:$0x2];
	[bflag:$0x3] =	sbarrier.arrive $0xFFFF;
	s2 =	simm.s32 @!p0 $0x1C03  }
0x90: {  	[timem:s3], [sflag:s2] =	dma.local @!p0 [hbm:s0], s1  }
0x91: {  	s0 =	simm.s32 @!p0 $0x3  }
0x92: {  	_ =	swait.ge @!p0 [sflag:s0], s1  }
0x93: {  	s1 =	ssub.s32 @!p0 $0x0, s1;
	[sflag:s0] =	ssyncset.done @!p0 $0x0  }
0x94: {  	[sflag:s0] =	ssyncadd.s32 @!p0 s1  }
0x95: {  	[bflag:$0x3] =	sbarrier.arrive $0xFFFF  }
0x96: {  	_ =	shalt  }

// kernel: kernel.7.cloned.1.call-start
scs
__scs_entry_jumppad:
0x0: {  	(pc) =	sbr.rel $0x88, $3  }
0x1: {  	(tag) =	ssettag $0x0;
	lr =	simm.s32 $0x1  }
0x2: {  	[smem:$0x3F94] =	sst lr;
	_ =	strace $0xD0000000  }
0x3: {  	_ = 	snop  }
0x4: {  	_ = 	snop  }
0x5: {  	_ = 	snop  }
0x6: {  	_ = 	snop  }
0x7: {  	_ = 	snop  }
__scs_overlays_trampoline_lowered:
0x8: {  	[smem:$0x3FA3] =	sst s0  }
0x9: {  	[smem:$0x3FA4] =	sst s1  }
0xa: {  	[smem:$0x3FA5] =	sst s2  }
0xb: {  	[smem:$0x3FA6] =	sst s3  }
0xc: {  	[smem:$0x3FA7] =	sst s4  }
0xd: {  	[smem:$0x3FA8] =	sst s5  }
0xe: {  	[smem:$0x3FA9] =	sst s6  }
0xf: {  	[smem:$0x3FAA] =	sst s7  }
0x10: {  	[smem:$0x3FAB] =	sst s8  }
0x11: {  	[smem:$0x3FAC] =	sst s9;
	s0 =	simm.s32 @!p0 $0x0  }
0x12: {  	s1 =	sld [smem:$0x3F92];
	s0 =	simm.s32 @p0 $0x1  }
0x13: {  	[smem:$0x3FAD] =	sst s0;
	s0 =	simm.s32 @!p1 $0x0  }
0x14: {  	s2 =	sld [smem:$0x3F91];
	s0 =	simm.s32 @p1 $0x1  }
0x15: {  	[smem:$0x3FAE] =	sst s0;
	s0 =	simm.s32 @!p2 $0x0  }
0x16: {  	s3 =	sld [smem:$0x3FDB];
	s0 =	simm.s32 @p2 $0x1  }
0x17: {  	s4 =	simm.s32 $0x1BF5;
	[smem:$0x3FB0] =	sst s0  }
0x18: {  	s0 =	sld [smem:$0x3F93];
	_ =	swait.ge [sflag:s4], $0x0  }
0x19: {  	s7 =	sld [smem:$0x3F94]  }
0x1a: {  	s8 =	sadd.s32 $0xFFFFE003, lr  }
0x1b: {  	s9 =	sadd.s32 $0xFFFFFEF7, lr;
	s5 =	simm.s32 $0xFFFFFFFF;
	p2 =	slt.u32 s8, $0xFFFFF086  }
0x1c: {  	p1 =	slt.u32 s9, $0xF7A;
	s5 =	simm.s32 @!p2 $0x0  }
0x1d: {  	s5 =	simm.s32 @p1 $0x1;
	p0 =	seq.s32 s7, s2  }
0x1e: {  	s7 =	smul.u32 @!p0 $0xF7A, s2;
	p2 =	seq.s32 @!p0 s5, $0x0  }
0x1f: {  	s9 =	smul.u32 $0xF7A, s1;
	s8 =	simm.s32 @!p0 $0x1BF5;
	p2 =	por !p2, p0  }
0x20: {  	[sflag:s8] =	ssyncset.s32 @!p0 $0xFFFFF086;
	s6 =	sadd.s32 @!p0 s3, s7;
	s7 =	simm.s32 @!p0 $0x108  }
0x21: {  	s3 =	sadd.s32 s3, s9;
	s6 =	sadd.s32 @!p0 $0x88, s6;
	s7 =	simm.s32 @p2 $0x1082  }
0x22: {  	[simem:s7], [sflag:s8] =	dma.local @!p0 [hbm:s6], $0xF7A  }
0x23: {  	s9 =	sor.u32 $0xD0000000, s2;
	s6 =	simm.s32 $0x108;
	_ =	swait.ge @!p0 [sflag:s8], $0x0  }
0x24: {  	s3 =	sadd.s32 $0x88, s3;
	s6 =	simm.s32 @!p1 $0x1082;
	[sflag:s4] =	ssyncset.s32 $0xFFFFF086  }
0x25: {  	[simem:s6], [sflag:s4] =	dma.local [hbm:s3], $0xF7A  }
0x26: {  	[smem:$0x3F94] =	sst s1;
	(tag) =	ssettag s2;
	_ =	strace s9  }
0x27: {  	s1 =	sld [smem:$0x3FA4]  }
0x28: {  	s2 =	sld [smem:$0x3FA5]  }
0x29: {  	s4 =	sld [smem:$0x3FA7]  }
0x2a: {  	p0 =	seq.s32 s5, $0x0;
	s5 =	sld [smem:$0x3FA8]  }
0x2b: {  	s6 =	sld [smem:$0x3FA9]  }
0x2c: {  	s7 =	sld [smem:$0x3FAA]  }
0x2d: {  	s3 =	simm.s32 $0x108;
	s8 =	sld [smem:$0x3FAB]  }
0x2e: {  	s3 =	simm.s32 @!p0 $0x1082;
	s9 =	sld [smem:$0x3FAC]  }
0x2f: {  	lr =	sadd.s32 s0, s3;
	s0 =	sld [smem:$0x3FA3]  }
0x30: {  	s3 =	sld [smem:$0x3FA6]  }
0x31: {  	[smem:$0x3FAF] =	sst s10  }
0x32: {  	s10 =	sld [smem:$0x3FAD];
	_ =	sdelay $0x3  }
0x33: {  	p0 =	seq.s32 s10, $0x1;
	s10 =	sld [smem:$0x3FAF];
	_ =	sdelay $0x3  }
0x34: {  	[smem:$0x3FAF] =	sst s10  }
0x35: {  	s10 =	sld [smem:$0x3FAE];
	_ =	sdelay $0x3  }
0x36: {  	p1 =	seq.s32 s10, $0x1;
	s10 =	sld [smem:$0x3FAF];
	_ =	sdelay $0x3  }
0x37: {  	[smem:$0x3FAF] =	sst s10  }
0x38: {  	s10 =	sld [smem:$0x3FB0]  }
0x39: {  	_ = 	snop;
	(pc) =	sbr.ind lr, $3  }
0x3a: {  	_ = 	snop  }
0x3b: {  	_ = 	snop  }
0x3c: {  	p2 =	seq.s32 s10, $0x1;
	s10 =	sld [smem:$0x3FAF]  }
0x3d: {  	_ =	shalt  }
0x3e: {  	_ =	shalt  }
0x3f: {  	_ =	shalt  }
0x40: {  	_ =	shalt  }
0x41: {  	_ =	shalt  }
0x42: {  	_ =	shalt  }
0x43: {  	_ =	shalt  }
0x44: {  	_ =	shalt  }
0x45: {  	_ =	shalt  }
0x46: {  	_ =	shalt  }
0x47: {  	_ =	shalt  }
0x48: {  	_ =	shalt  }
0x49: {  	_ =	shalt  }
0x4a: {  	_ =	shalt  }
0x4b: {  	_ =	shalt  }
0x4c: {  	_ =	shalt  }
0x4d: {  	_ =	shalt  }
0x4e: {  	_ =	shalt  }
0x4f: {  	_ =	shalt  }
0x50: {  	_ =	shalt  }
0x51: {  	_ =	shalt  }
0x52: {  	_ =	shalt  }
0x53: {  	_ =	shalt  }
0x54: {  	_ =	shalt  }
0x55: {  	_ =	shalt  }
0x56: {  	_ =	shalt  }
0x57: {  	_ =	shalt  }
0x58: {  	_ =	shalt  }
0x59: {  	_ =	shalt  }
0x5a: {  	_ =	shalt  }
0x5b: {  	_ =	shalt  }
0x5c: {  	_ =	shalt  }
0x5d: {  	_ =	shalt  }
0x5e: {  	_ =	shalt  }
0x5f: {  	_ =	shalt  }
0x60: {  	_ =	shalt  }
0x61: {  	_ =	shalt  }
0x62: {  	_ =	shalt  }
0x63: {  	_ =	shalt  }
0x64: {  	_ =	shalt  }
0x65: {  	_ =	shalt  }
0x66: {  	_ =	shalt  }
0x67: {  	_ =	shalt  }
0x68: {  	_ =	shalt  }
0x69: {  	_ =	shalt  }
0x6a: {  	_ =	shalt  }
0x6b: {  	_ =	shalt  }
0x6c: {  	_ =	shalt  }
0x6d: {  	_ =	shalt  }
0x6e: {  	_ =	shalt  }
0x6f: {  	_ =	shalt  }
0x70: {  	_ =	shalt  }
0x71: {  	_ =	shalt  }
0x72: {  	_ =	shalt  }
0x73: {  	_ =	shalt  }
0x74: {  	_ =	shalt  }
0x75: {  	_ =	shalt  }
0x76: {  	_ =	shalt  }
0x77: {  	_ =	shalt  }
0x78: {  	_ =	shalt  }
0x79: {  	_ =	shalt  }
0x7a: {  	_ =	shalt  }
0x7b: {  	_ =	shalt  }
0x7c: {  	_ =	shalt  }
0x7d: {  	_ =	shalt  }
0x7e: {  	_ =	shalt  }
0x7f: {  	_ =	shalt  }
0x80: {  	_ =	shalt  }
0x81: {  	_ =	shalt  }
0x82: {  	_ =	shalt  }
0x83: {  	_ =	shalt  }
0x84: {  	_ =	shalt  }
0x85: {  	_ =	shalt  }
0x86: {  	_ =	shalt  }
0x87: {  	_ =	shalt  }
.Lfunc_end0:
.L_simem_size_0:
called_computation_lowered:
.L_overlay_start_0:
0x88: {  	s2 =	sld [smem:$0x3FD9]  }
0x89: {  	s3 =	sld [smem:$0x3FFE];
	_ =	sdelay $0x1  }
0x8a: {  	s1 =	srdreg.scid  }
0x8b: {  	s0 =	sand.u32 $0x1, s1  }
0x8c: {  	s17 =	sshll.u32 s0, $0xA;
	s2 =	sadd.s32 s3, s2  }
0x8d: {  	s2 =	sadd.s32 s2, s17  }
0x8e: {  	[smem:$0x3FBB] =	sst s2  }
0x8f: {  	_ = 	snop  }
0x90: {  	s2 =	sld [smem:$0x3FD0];
	(tm) =	ssettm $0x1  }
0x91: {  	s18 =	sld [smem:$0x3FFB];
	_ =	sdelay $0x3  }
0x92: {  	_ =	strace s18  }
0x93: {  	s3 =	sld [smem:$0x3FFC];
	_ =	sdelay $0x3  }
0x94: {  	_ =	strace s3  }
0x95: {  	s3 =	sld [smem:$0x3FFD];
	_ =	sdelay $0x3  }
0x96: {  	_ =	strace s3  }
0x97: {  	_ =	strace $0x8FFFFFFF  }
0x98: {  	s19 =	sld [smem:$0x3FDB];
	_ =	sdelay $0x1  }
0x99: {  	s4 =	simm.s32 $_scs_section_size  }
0x9a: {  	s5 =	simm.s32 $_size__tile_overlayer_lowered;
	s6 =	simm.s32 $_tile_overlayer_lowered  }
0x9b: {  	s22 =	simm.s32 $0x1BFF;
	s21 =	sshll.u32 s6, $0x1;
	s3 =	sadd.s32 s4, s19  }
0x9c: {  	s7 =	simm.s32 $0x0;
	s20 =	sshll.u32 s5, $0x1;
	s5 =	sadd.s32 s21, s3  }
0x9d: {  	[timem:s7], [sflag:s22] =	dma.local [hbm:s5], s20  }
0x9e: {  	_ =	swait.ge [sflag:s22], s20  }
0x9f: {  	s4 =	ssub.s32 $0x0, s20;
	[sflag:s22] =	ssyncset.done $0x0  }
0xa0: {  	[sflag:s22] =	ssyncadd.s32 s4;
	_ =	sdelay $0x1  }
0xa1: {  	s23 =	simm.s32 $0x1B8B  }
0xa2: {  	_ =	swait.ge [sflag:s23], $0x1  }
0xa3: {  	[sflag:s23] =	ssyncset.done $0x0  }
0xa4: {  	s25 =	simm.s32 $0x1B8E;
	s24 =	sld [smem:$0x3FFE];
	[sflag:s23] =	ssyncadd.s32 $0xFFFFFFFF  }
0xa5: {  	s26 =	simm.s32 $execute0_lowered;
	[smem:$0x3FD2] =	sst s25  }
0xa6: {  	s5 =	sshll.u32 s26, $0x1;
	_ =	strace $0x80000046;
	[dreg:$0x1] =	wrdreg $0xFFFFFFFF  }
0xa7: {  	s28 =	simm.s32 $_size_execute0_lowered;
	s3 =	sadd.s32 s3, s5;
	[dreg:$0x0] =	wrdreg $0x0  }
0xa8: {  	s5 =	sshll.u32 s28, $0x1;
	[dreg:$0x2] =	wrdreg s3  }
0xa9: {  	[dreg:$0x3] =	wrdreg s5  }
0xaa: {  	[dreg:$0x4] =	wrdreg $0xC0  }
0xab: {  	_ =	task [dreg:s7], $0x5FFFF  }
0xac: {  	[dreg:$0x1] =	wrdreg $0xFFFFFFFF  }
0xad: {  	[dreg:$0x0] =	wrdreg $0x60  }
0xae: {  	[dreg:$0x2] =	wrdreg s2  }
0xaf: {  	[dreg:$0x3] =	wrdreg s24  }
0xb0: {  	[dreg:$0x4] =	wrdreg $0x9  }
0xb1: {  	_ =	task.clear_ibuf [dreg:s7], $0x5FFFF;
	_ =	strace $0x90000046  }
0xb2: {  	s29 =	simm.s32 $0x9;
	_ =	strace $0x80000048  }
0xb3: {  	_ =	swait.ge [sflag:s29], $0x1  }
0xb4: {  	[sflag:s29] =	ssyncadd.s32 $0xFFFFFFFF  }
0xb5: {  	_ =	strace $0x90000048  }
0xb6: {  	_ =	sfence  }
0xb7: {  	s30 =	sld [smem:$0x0];
	_ =	sdelay $0x2  }
0xb8: {  	s31 =	sshll.u32 s1, $0xD;
	s1 =	sshrl.u32 s1, $0x2  }
0xb9: {  	s3 =	sand.u32 $0x4000, s31;
	s1 =	sadd.s32 s1, s30  }
0xba: {  	s0 =	sor.u32 s3, s0;
	s1 =	sshll.u32 s1, $0x11  }
0xbb: {  	s0 =	sor.u32 s1, s0  }
0xbc: {  	s0 =	sadd.s32 $0x8F2B, s0  }
0xbd: {  	[sflag:s0] =	ssyncadd.remote.s32 $0x1  }
0xbe: {  	_ =	sfence.sel $0xFFFF  }
0xbf: {  	[dreg:$0x0] =	wrdreg $0xFFFFFFFF;
	(pc) =	sbr.abs _section_cstart, $3  }
0xc0: {  	[dreg:$0x1] =	wrdreg $0xFFFFFFFF  }
0xc1: {  	_ =	task.clear_ibuf [dreg:s7], $0x2FFFF;
	_ =	strace $0x9FFFFFFF  }
0xc2: {  	(tm) =	ssettm $0x7FFFFFFF  }
0xc3: {  	_ =	shalt  }
tec
execute0_lowered:
.L_overlay_start_1:
0x0: {  	(tag) =	ssettag $0x1  }
0x1: {  	s2 =	rddreg [dreg:$0x0]  }
0x2: {  	s8 =	rddreg [dreg:$0x1];
	s4 =	srdreg.scid  }
0x3: {  	s1 =	stileid.u32;
	s3 =	simm.s32 $0x0;
	s15 =	simm.s32 $0x100  }
0x4: {  	s16 =	simm.s32 $0x1;
	s17 =	simm.s32 $0x50;
	s18 =	simm.s32 $0x200  }
0x5: {  	s19 =	simm.s32 $0x5200;
	s20 =	simm.s32 $0x80;
	s21 =	simm.s32 $0x180  }
0x6: {  	s22 =	simm.s32 $0x2;
	s23 =	simm.s32 $0x3;
	s24 =	simm.s32 $0x0  }
0x7: {  	s9 =	sand.u32 $0x1, s4;
	s31 =	sshll.u32 s1, $0x1;
	[smem:$0x7FF] =	sst s3  }
0x8: {  	s4 =	sadd.s32 $0x16200, s8;
	s6 =	sadd.s32 $0xC400, s8;
	s5 =	sor.u32 s9, s31  }
0x9: {  	s7 =	sadd.s32 $0x2600, s8;
	s9 =	ssub.s32 $0x2, s9;
	s5 =	smul.u32 $0x2710, s5  }
0xa: {  	s8 =	sadd.s32 $0x3D400, s8;
	_ =	strace $0x80000047;
	s10 =	sshrl.u32 s9, $0x1  }
0xb: {  	s14 =	ssub.s32 s9, s10;
	s11 =	sshrl.u32 s5, $0x3;
	s13 =	sadd.s32 $0xA0, s5  }
0xc: {  	s14 =	smax.u32 s14, $0x1;
	s9 =	sadd.s32 s6, s11;
	s12 =	sadd.s32 $0xA, s11  }
0xd: {  	s10 =	sadd.s32 s7, s11;
	s11 =	sadd.s32 s6, s12;
	s12 =	sadd.s32 s7, s12  }
.LBB2_1:
0xe: {  	[tilespmem:s3], [sflag:$0x1] =	stream.linear.gather [hbm4b:s9+s3], $0x50, $0x38;
	[tilespmem:$0xA200] =	vst v63  }
0xf: {  	_ = 	snop  }
0x10: {  	[tilespmem:s15], [sflag:$0x1] =	stream.linear.gather [hbm4b:s10+s3], $0x50, $0x38;
	[tilespmem:$0xA200] =	vst v63  }
0x11: {  	_ =	swait.ge [sflag:s16], $0x50  }
0x12: {  	[sflag:s16] =	ssyncset.done $0x0  }
0x13: {  	[sflag:s16] =	ssyncadd.s32 $0xFFFFFFB0  }
0x14: {  	_ =	swait.ge [sflag:s16], $0x50  }
0x15: {  	[sflag:s16] =	ssyncset.done $0x0  }
0x16: {  	[sflag:s16] =	ssyncadd.s32 $0xFFFFFFB0  }
0x17: {  	[tilespmem:s18], [sflag:$0x2] =	stream.indirect.gather [hbm4b:s2+s17], $0x80, s3, s17, $0xb8;
	[tilespmem:$0xA200] =	vst v63  }
0x18: {  	_ = 	snop  }
0x19: {  	[tilespmem:s19], [sflag:$0x2] =	stream.indirect.gather [hbm4b:s4+s17], $0x80, s15, s17, $0xb8;
	[tilespmem:$0xA200] =	vst v63  }
0x1a: {  	_ = 	snop  }
0x1b: {  	[tilespmem:s20], [sflag:$0x1] =	stream.linear.gather [hbm4b:s11+s3], $0x50, $0x38;
	[tilespmem:$0xA200] =	vst v63  }
0x1c: {  	p0 =	por $0x0, $0x0;
	s25 =	simm.s32 $0x0  }
0x1d: {  	[tilespmem:s21], [sflag:$0x1] =	stream.linear.gather [hbm4b:s12+s3], $0x50, $0x38;
	[tilespmem:$0xA200] =	vst v63  }
.LBB2_2:
0x1e: {  	_ =	swait.ge [sflag:s22], $0x2800  }
0x1f: {  	[sflag:s22] =	ssyncset.done $0x0  }
0x20: {  	[sflag:s22] =	ssyncadd.s32 $0xFFFFD800  }
0x21: {  	_ =	swait.ge [sflag:s22], $0x2800  }
0x22: {  	p1 =	seq.s32 s25, $0x7C;
	[sflag:s22] =	ssyncset.done $0x0  }
0x23: {  	s26 =	simm.s32 @!p1 $0x1;
	[sflag:s22] =	ssyncadd.s32 $0xFFFFD800  }
0x24: {  	_ =	swait.ge @!p1 [sflag:s26], $0x50  }
0x25: {  	[sflag:s26] =	ssyncset.done @!p1 $0x0  }
0x26: {  	[sflag:s26] =	ssyncadd.s32 @!p1 $0xFFFFFFB0  }
0x27: {  	s29 =	sand.u32 $0x1, s25;
	p2 =	seq.s32 @!p1 s25, $0x0;
	_ =	swait.ge @!p1 [sflag:s26], $0x50  }
0x28: {  	s31 =	simm.s32 $0x1;
	p2 =	por p2, p1;
	[sflag:s26] =	ssyncset.done @!p1 $0x0  }
0x29: {  	s28 =	sxor.u32 $0x1, s29;
	[sflag:s26] =	ssyncadd.s32 @!p1 $0xFFFFFFB0;
	s26 =	simm.s32 @!p2 $0x3  }
0x2a: {  	s0 =	simm.s32 @!p1 $0x50;
	s30 =	smul.u32 @!p1 $0x2800, s28;
	_ =	swait.ge @!p2 [sflag:s26], $0x2800  }
0x2b: {  	s31 =	simm.s32 @!p0 $0x0;
	s28 =	sshll.u32 @!p1 s28, $0x7;
	[sflag:s26] =	ssyncset.done @!p2 $0x0  }
0x2c: {  	[sflag:s26] =	ssyncadd.s32 @!p2 $0xFFFFD800;
	s26 =	sor.u32 @!p1 $0x200, s30;
	p2 =	sgt.u32 @!p1 s25, $0x7A  }
0x2d: {  	[tilespmem:s26], [sflag:$0x2] =	stream.indirect.gather @!p1 [hbm4b:s2+s0], $0x80, s28, s0, $0xb8;
	[tilespmem:$0xA200] =	vst v63  }
0x2e: {  	s26 =	smul.u32 $0xA000, s31;
	p2 =	por p2, p1  }
0x2f: {  	s30 =	sadd.s32 @!p1 $0x5200, s30;
	s28 =	sor.u32 @!p1 $0x100, s28;
	s31 =	smul.u32 @!p2 $0x50, s25  }
0x30: {  	[tilespmem:s30], [sflag:$0x2] =	stream.indirect.gather @!p1 [hbm4b:s4+s0], $0x80, s28, s0, $0xb8;
	[tilespmem:$0xA200] =	vst v63  }
0x31: {  	s0 =	sadd.s32 @!p2 s31, s13  }
0x32: {  	s28 =	sshrl.u32 s26, $0x2;
	s0 =	sshrl.u32 @!p2 s0, $0x3  }
0x33: {  	s30 =	sshll.u32 @!p2 s29, $0x7;
	s31 =	simm.s32 @!p2 $0x0;
	s26 =	sadd.s32 @!p2 s6, s0  }
0x34: {  	[tilespmem:s30], [sflag:$0x1] =	stream.linear.gather @!p2 [hbm4b:s26+s31], $0x50, $0x38;
	[tilespmem:$0xA200] =	vst v63  }
0x35: {  	s0 =	sadd.s32 @!p2 s7, s0;
	s26 =	sor.u32 $0x300, s28;
	s30 =	sor.u32 @!p2 $0x100, s30  }
0x36: {  	[tilespmem:s30], [sflag:$0x1] =	stream.linear.gather @!p2 [hbm4b:s0+s31], $0x50, $0x38;
	[tilespmem:$0xA200] =	vst v63  }
0x37: {  	s28 =	sadd.s32 $0x5300, s28;
	v0 =	vld [tilespmem:s26+$0xFFFFFF00]  }
0x38: {  	v1 =	vld [tilespmem:s28+$0xFFFFFF00];
	_ =	sdelay $0x4  }
0x39: {  	v0 =	vadd.f32 v1, v0;
	_ =	sdelay $0x1  }
0x3a: {  	[tilespmem:s26+$0xFFFFFF00] =	vst v0;
	v0 =	vld [tilespmem:s26+$0xFFFFFF10]  }
0x3b: {  	v1 =	vld [tilespmem:s28+$0xFFFFFF10];
	_ =	sdelay $0x4  }
0x3c: {  	v0 =	vadd.f32 v1, v0;
	_ =	sdelay $0x1  }
0x3d: {  	[tilespmem:s26+$0xFFFFFF10] =	vst v0;
	v0 =	vld [tilespmem:s26+$0xFFFFFF20]  }
0x3e: {  	v1 =	vld [tilespmem:s28+$0xFFFFFF20];
	_ =	sdelay $0x4  }
0x3f: {  	v0 =	vadd.f32 v1, v0;
	_ =	sdelay $0x1  }
0x40: {  	[tilespmem:s26+$0xFFFFFF20] =	vst v0;
	v0 =	vld [tilespmem:s26+$0xFFFFFF30]  }
0x41: {  	v1 =	vld [tilespmem:s28+$0xFFFFFF30];
	_ =	sdelay $0x4  }
0x42: {  	v0 =	vadd.f32 v1, v0;
	_ =	sdelay $0x1  }
0x43: {  	[tilespmem:s26+$0xFFFFFF30] =	vst v0;
	v0 =	vld [tilespmem:s26+$0xFFFFFF40]  }
0x44: {  	v1 =	vld [tilespmem:s28+$0xFFFFFF40];
	_ =	sdelay $0x4  }
0x45: {  	v0 =	vadd.f32 v1, v0;
	_ =	sdelay $0x1  }
0x46: {  	[tilespmem:s26+$0xFFFFFF40] =	vst v0;
	v0 =	vld [tilespmem:s26+$0xFFFFFF50]  }
0x47: {  	v1 =	vld [tilespmem:s28+$0xFFFFFF50];
	_ =	sdelay $0x4  }
0x48: {  	v0 =	vadd.f32 v1, v0;
	_ =	sdelay $0x1  }
0x49: {  	[tilespmem:s26+$0xFFFFFF50] =	vst v0;
	v0 =	vld [tilespmem:s26+$0xFFFFFF60]  }
0x4a: {  	v1 =	vld [tilespmem:s28+$0xFFFFFF60];
	_ =	sdelay $0x4  }
0x4b: {  	v0 =	vadd.f32 v1, v0;
	_ =	sdelay $0x1  }
0x4c: {  	[tilespmem:s26+$0xFFFFFF60] =	vst v0;
	v0 =	vld [tilespmem:s26+$0xFFFFFF70]  }
0x4d: {  	v1 =	vld [tilespmem:s28+$0xFFFFFF70];
	_ =	sdelay $0x4  }
0x4e: {  	v0 =	vadd.f32 v1, v0;
	_ =	sdelay $0x1  }
0x4f: {  	[tilespmem:s26+$0xFFFFFF70] =	vst v0;
	v0 =	vld [tilespmem:s26+$0xFFFFFF80]  }
0x50: {  	v1 =	vld [tilespmem:s28+$0xFFFFFF80];
	_ =	sdelay $0x4  }
0x51: {  	v0 =	vadd.f32 v1, v0;
	_ =	sdelay $0x1  }
0x52: {  	[tilespmem:s26+$0xFFFFFF80] =	vst v0;
	v0 =	vld [tilespmem:s26+$0xFFFFFF90]  }
0x53: {  	v1 =	vld [tilespmem:s28+$0xFFFFFF90];
	_ =	sdelay $0x4  }
0x54: {  	v0 =	vadd.f32 v1, v0;
	_ =	sdelay $0x1  }
0x55: {  	[tilespmem:s26+$0xFFFFFF90] =	vst v0;
	v0 =	vld [tilespmem:s26+$0xFFFFFFA0]  }
0x56: {  	v1 =	vld [tilespmem:s28+$0xFFFFFFA0];
	_ =	sdelay $0x4  }
0x57: {  	v0 =	vadd.f32 v1, v0;
	_ =	sdelay $0x1  }
0x58: {  	[tilespmem:s26+$0xFFFFFFA0] =	vst v0;
	v0 =	vld [tilespmem:s26+$0xFFFFFFB0]  }
0x59: {  	v1 =	vld [tilespmem:s28+$0xFFFFFFB0];
	_ =	sdelay $0x4  }
0x5a: {  	v0 =	vadd.f32 v1, v0;
	_ =	sdelay $0x1  }
0x5b: {  	[tilespmem:s26+$0xFFFFFFB0] =	vst v0;
	v0 =	vld [tilespmem:s26+$0xFFFFFFC0]  }
0x5c: {  	v1 =	vld [tilespmem:s28+$0xFFFFFFC0];
	_ =	sdelay $0x4  }
0x5d: {  	v0 =	vadd.f32 v1, v0;
	_ =	sdelay $0x1  }
0x5e: {  	[tilespmem:s26+$0xFFFFFFC0] =	vst v0;
	v0 =	vld [tilespmem:s26+$0xFFFFFFD0]  }
0x5f: {  	v1 =	vld [tilespmem:s28+$0xFFFFFFD0];
	_ =	sdelay $0x4  }
0x60: {  	v0 =	vadd.f32 v1, v0;
	_ =	sdelay $0x1  }
0x61: {  	[tilespmem:s26+$0xFFFFFFD0] =	vst v0;
	v0 =	vld [tilespmem:s26+$0xFFFFFFE0]  }
0x62: {  	v1 =	vld [tilespmem:s28+$0xFFFFFFE0];
	_ =	sdelay $0x4  }
0x63: {  	v0 =	vadd.f32 v1, v0;
	_ =	sdelay $0x1  }
0x64: {  	[tilespmem:s26+$0xFFFFFFE0] =	vst v0;
	v0 =	vld [tilespmem:s26+$0xFFFFFFF0]  }
0x65: {  	v1 =	vld [tilespmem:s28+$0xFFFFFFF0];
	_ =	sdelay $0x4  }
0x66: {  	v0 =	vadd.f32 v1, v0;
	_ =	sdelay $0x1  }
0x67: {  	[tilespmem:s26+$0xFFFFFFF0] =	vst v0;
	v0 =	vld [tilespmem:s26+$0x0]  }
0x68: {  	v1 =	vld [tilespmem:s28+$0x0];
	_ =	sdelay $0x4  }
0x69: {  	v0 =	vadd.f32 v1, v0;
	_ =	sdelay $0x1  }
0x6a: {  	[tilespmem:s26+$0x0] =	vst v0;
	v0 =	vld [tilespmem:s26+$0x10]  }
0x6b: {  	v1 =	vld [tilespmem:s28+$0x10];
	_ =	sdelay $0x4  }
0x6c: {  	v0 =	vadd.f32 v1, v0;
	_ =	sdelay $0x1  }
0x6d: {  	[tilespmem:s26+$0x10] =	vst v0;
	v0 =	vld [tilespmem:s26+$0x20]  }
0x6e: {  	v1 =	vld [tilespmem:s28+$0x20];
	_ =	sdelay $0x4  }
0x6f: {  	v0 =	vadd.f32 v1, v0;
	_ =	sdelay $0x1  }
0x70: {  	[tilespmem:s26+$0x20] =	vst v0;
	v0 =	vld [tilespmem:s26+$0x30]  }
0x71: {  	v1 =	vld [tilespmem:s28+$0x30];
	_ =	sdelay $0x4  }
0x72: {  	v0 =	vadd.f32 v1, v0;
	_ =	sdelay $0x1  }
0x73: {  	[tilespmem:s26+$0x30] =	vst v0;
	v0 =	vld [tilespmem:s26+$0x40]  }
0x74: {  	v1 =	vld [tilespmem:s28+$0x40];
	_ =	sdelay $0x4  }
0x75: {  	v0 =	vadd.f32 v1, v0;
	_ =	sdelay $0x1  }
0x76: {  	[tilespmem:s26+$0x40] =	vst v0;
	v0 =	vld [tilespmem:s26+$0x50]  }
0x77: {  	v1 =	vld [tilespmem:s28+$0x50];
	_ =	sdelay $0x4  }
0x78: {  	v0 =	vadd.f32 v1, v0;
	_ =	sdelay $0x1  }
0x79: {  	[tilespmem:s26+$0x50] =	vst v0;
	v0 =	vld [tilespmem:s26+$0x60]  }
0x7a: {  	v1 =	vld [tilespmem:s28+$0x60];
	_ =	sdelay $0x4  }
0x7b: {  	v0 =	vadd.f32 v1, v0;
	_ =	sdelay $0x1  }
0x7c: {  	[tilespmem:s26+$0x60] =	vst v0;
	v0 =	vld [tilespmem:s26+$0x70]  }
0x7d: {  	v1 =	vld [tilespmem:s28+$0x70];
	_ =	sdelay $0x4  }
0x7e: {  	v0 =	vadd.f32 v1, v0;
	_ =	sdelay $0x1  }
0x7f: {  	[tilespmem:s26+$0x70] =	vst v0;
	v0 =	vld [tilespmem:s26+$0x80]  }
0x80: {  	v1 =	vld [tilespmem:s28+$0x80];
	_ =	sdelay $0x4  }
0x81: {  	v0 =	vadd.f32 v1, v0;
	_ =	sdelay $0x1  }
0x82: {  	[tilespmem:s26+$0x80] =	vst v0;
	v0 =	vld [tilespmem:s26+$0x90]  }
0x83: {  	v1 =	vld [tilespmem:s28+$0x90];
	_ =	sdelay $0x4  }
0x84: {  	v0 =	vadd.f32 v1, v0;
	_ =	sdelay $0x1  }
0x85: {  	[tilespmem:s26+$0x90] =	vst v0;
	v0 =	vld [tilespmem:s26+$0xA0]  }
0x86: {  	v1 =	vld [tilespmem:s28+$0xA0];
	_ =	sdelay $0x4  }
0x87: {  	v0 =	vadd.f32 v1, v0;
	_ =	sdelay $0x1  }
0x88: {  	[tilespmem:s26+$0xA0] =	vst v0;
	v0 =	vld [tilespmem:s26+$0xB0]  }
0x89: {  	v1 =	vld [tilespmem:s28+$0xB0];
	_ =	sdelay $0x4  }
0x8a: {  	v0 =	vadd.f32 v1, v0;
	_ =	sdelay $0x1  }
0x8b: {  	[tilespmem:s26+$0xB0] =	vst v0;
	v0 =	vld [tilespmem:s26+$0xC0]  }
0x8c: {  	v1 =	vld [tilespmem:s28+$0xC0];
	_ =	sdelay $0x4  }
0x8d: {  	v0 =	vadd.f32 v1, v0;
	_ =	sdelay $0x1  }
0x8e: {  	[tilespmem:s26+$0xC0] =	vst v0;
	v0 =	vld [tilespmem:s26+$0xD0]  }
0x8f: {  	v1 =	vld [tilespmem:s28+$0xD0];
	_ =	sdelay $0x4  }
0x90: {  	v0 =	vadd.f32 v1, v0;
	_ =	sdelay $0x1  }
0x91: {  	[tilespmem:s26+$0xD0] =	vst v0;
	v0 =	vld [tilespmem:s26+$0xE0]  }
0x92: {  	v1 =	vld [tilespmem:s28+$0xE0];
	_ =	sdelay $0x4  }
0x93: {  	v0 =	vadd.f32 v1, v0;
	_ =	sdelay $0x1  }
0x94: {  	[tilespmem:s26+$0xE0] =	vst v0;
	v0 =	vld [tilespmem:s26+$0xF0]  }
0x95: {  	v1 =	vld [tilespmem:s28+$0xF0];
	_ =	sdelay $0x3  }
0x96: {  	s0 =	smul.u32 $0x2800, s29  }
0x97: {  	v0 =	vadd.f32 v1, v0  }
0x98: {  	s30 =	simm.s32 $0x0;
	s31 =	sadd.s32 $0x200, s26;
	s29 =	sor.u32 $0x200, s0  }
.LBB2_3:
0x99: {  	v1 =	vld [tilespmem:s31+$0xFFFFFF00];
	[tilespmem:s26+$0xF0] =	vst v0;
	s28 =	sadd.s32 $0x200, s28;
	s26 =	smov.u32 s31  }
0x9a: {  	s30 =	sadd.s32 $0x4, s30;
	v0 =	vld [tilespmem:s28+$0xFFFFFF00]  }
0x9b: {  	p1 =	slt.u32 s30, $0x4C;
	_ =	sdelay $0x3  }
0x9c: {  	v0 =	vadd.f32 v0, v1;
	_ =	sdelay $0x1  }
0x9d: {  	[tilespmem:s31+$0xFFFFFF00] =	vst v0;
	v0 =	vld [tilespmem:s31+$0xFFFFFF10]  }
0x9e: {  	v1 =	vld [tilespmem:s28+$0xFFFFFF10];
	_ =	sdelay $0x4  }
0x9f: {  	v0 =	vadd.f32 v1, v0;
	_ =	sdelay $0x1  }
0xa0: {  	[tilespmem:s31+$0xFFFFFF10] =	vst v0;
	v0 =	vld [tilespmem:s31+$0xFFFFFF20]  }
0xa1: {  	v1 =	vld [tilespmem:s28+$0xFFFFFF20];
	_ =	sdelay $0x4  }
0xa2: {  	v0 =	vadd.f32 v1, v0;
	_ =	sdelay $0x1  }
0xa3: {  	[tilespmem:s31+$0xFFFFFF20] =	vst v0;
	v0 =	vld [tilespmem:s31+$0xFFFFFF30]  }
0xa4: {  	v1 =	vld [tilespmem:s28+$0xFFFFFF30];
	_ =	sdelay $0x4  }
0xa5: {  	v0 =	vadd.f32 v1, v0;
	_ =	sdelay $0x1  }
0xa6: {  	[tilespmem:s31+$0xFFFFFF30] =	vst v0;
	v0 =	vld [tilespmem:s31+$0xFFFFFF40]  }
0xa7: {  	v1 =	vld [tilespmem:s28+$0xFFFFFF40];
	_ =	sdelay $0x4  }
0xa8: {  	v0 =	vadd.f32 v1, v0;
	_ =	sdelay $0x1  }
0xa9: {  	[tilespmem:s31+$0xFFFFFF40] =	vst v0;
	v0 =	vld [tilespmem:s31+$0xFFFFFF50]  }
0xaa: {  	v1 =	vld [tilespmem:s28+$0xFFFFFF50];
	_ =	sdelay $0x4  }
0xab: {  	v0 =	vadd.f32 v1, v0;
	_ =	sdelay $0x1  }
0xac: {  	[tilespmem:s31+$0xFFFFFF50] =	vst v0;
	v0 =	vld [tilespmem:s31+$0xFFFFFF60]  }
0xad: {  	v1 =	vld [tilespmem:s28+$0xFFFFFF60];
	_ =	sdelay $0x4  }
0xae: {  	v0 =	vadd.f32 v1, v0;
	_ =	sdelay $0x1  }
0xaf: {  	[tilespmem:s31+$0xFFFFFF60] =	vst v0;
	v0 =	vld [tilespmem:s31+$0xFFFFFF70]  }
0xb0: {  	v1 =	vld [tilespmem:s28+$0xFFFFFF70];
	_ =	sdelay $0x4  }
0xb1: {  	v0 =	vadd.f32 v1, v0;
	_ =	sdelay $0x1  }
0xb2: {  	[tilespmem:s31+$0xFFFFFF70] =	vst v0;
	v0 =	vld [tilespmem:s31+$0xFFFFFF80]  }
0xb3: {  	v1 =	vld [tilespmem:s28+$0xFFFFFF80];
	_ =	sdelay $0x4  }
0xb4: {  	v0 =	vadd.f32 v1, v0;
	_ =	sdelay $0x1  }
0xb5: {  	[tilespmem:s31+$0xFFFFFF80] =	vst v0;
	v0 =	vld [tilespmem:s31+$0xFFFFFF90]  }
0xb6: {  	v1 =	vld [tilespmem:s28+$0xFFFFFF90];
	_ =	sdelay $0x4  }
0xb7: {  	v0 =	vadd.f32 v1, v0;
	_ =	sdelay $0x1  }
0xb8: {  	[tilespmem:s31+$0xFFFFFF90] =	vst v0;
	v0 =	vld [tilespmem:s31+$0xFFFFFFA0]  }
0xb9: {  	v1 =	vld [tilespmem:s28+$0xFFFFFFA0];
	_ =	sdelay $0x4  }
0xba: {  	v0 =	vadd.f32 v1, v0;
	_ =	sdelay $0x1  }
0xbb: {  	[tilespmem:s31+$0xFFFFFFA0] =	vst v0;
	v0 =	vld [tilespmem:s31+$0xFFFFFFB0]  }
0xbc: {  	v1 =	vld [tilespmem:s28+$0xFFFFFFB0];
	_ =	sdelay $0x4  }
0xbd: {  	v0 =	vadd.f32 v1, v0;
	_ =	sdelay $0x1  }
0xbe: {  	[tilespmem:s31+$0xFFFFFFB0] =	vst v0;
	v0 =	vld [tilespmem:s31+$0xFFFFFFC0]  }
0xbf: {  	v1 =	vld [tilespmem:s28+$0xFFFFFFC0];
	_ =	sdelay $0x4  }
0xc0: {  	v0 =	vadd.f32 v1, v0;
	_ =	sdelay $0x1  }
0xc1: {  	[tilespmem:s31+$0xFFFFFFC0] =	vst v0;
	v0 =	vld [tilespmem:s31+$0xFFFFFFD0]  }
0xc2: {  	v1 =	vld [tilespmem:s28+$0xFFFFFFD0];
	_ =	sdelay $0x4  }
0xc3: {  	v0 =	vadd.f32 v1, v0;
	_ =	sdelay $0x1  }
0xc4: {  	[tilespmem:s31+$0xFFFFFFD0] =	vst v0;
	v0 =	vld [tilespmem:s31+$0xFFFFFFE0]  }
0xc5: {  	v1 =	vld [tilespmem:s28+$0xFFFFFFE0];
	_ =	sdelay $0x4  }
0xc6: {  	v0 =	vadd.f32 v1, v0;
	_ =	sdelay $0x1  }
0xc7: {  	[tilespmem:s31+$0xFFFFFFE0] =	vst v0;
	v0 =	vld [tilespmem:s31+$0xFFFFFFF0]  }
0xc8: {  	v1 =	vld [tilespmem:s28+$0xFFFFFFF0];
	_ =	sdelay $0x4  }
0xc9: {  	v0 =	vadd.f32 v1, v0;
	_ =	sdelay $0x1  }
0xca: {  	[tilespmem:s31+$0xFFFFFFF0] =	vst v0;
	v0 =	vld [tilespmem:s31+$0x0]  }
0xcb: {  	v1 =	vld [tilespmem:s28+$0x0];
	_ =	sdelay $0x4  }
0xcc: {  	v0 =	vadd.f32 v1, v0;
	_ =	sdelay $0x1  }
0xcd: {  	[tilespmem:s31+$0x0] =	vst v0;
	v0 =	vld [tilespmem:s31+$0x10]  }
0xce: {  	v1 =	vld [tilespmem:s28+$0x10];
	_ =	sdelay $0x4  }
0xcf: {  	v0 =	vadd.f32 v1, v0;
	_ =	sdelay $0x1  }
0xd0: {  	[tilespmem:s31+$0x10] =	vst v0;
	v0 =	vld [tilespmem:s31+$0x20]  }
0xd1: {  	v1 =	vld [tilespmem:s28+$0x20];
	_ =	sdelay $0x4  }
0xd2: {  	v0 =	vadd.f32 v1, v0;
	_ =	sdelay $0x1  }
0xd3: {  	[tilespmem:s31+$0x20] =	vst v0;
	v0 =	vld [tilespmem:s31+$0x30]  }
0xd4: {  	v1 =	vld [tilespmem:s28+$0x30];
	_ =	sdelay $0x4  }
0xd5: {  	v0 =	vadd.f32 v1, v0;
	_ =	sdelay $0x1  }
0xd6: {  	[tilespmem:s31+$0x30] =	vst v0;
	v0 =	vld [tilespmem:s31+$0x40]  }
0xd7: {  	v1 =	vld [tilespmem:s28+$0x40];
	_ =	sdelay $0x4  }
0xd8: {  	v0 =	vadd.f32 v1, v0;
	_ =	sdelay $0x1  }
0xd9: {  	[tilespmem:s31+$0x40] =	vst v0;
	v0 =	vld [tilespmem:s31+$0x50]  }
0xda: {  	v1 =	vld [tilespmem:s28+$0x50];
	_ =	sdelay $0x4  }
0xdb: {  	v0 =	vadd.f32 v1, v0;
	_ =	sdelay $0x1  }
0xdc: {  	[tilespmem:s31+$0x50] =	vst v0;
	v0 =	vld [tilespmem:s31+$0x60]  }
0xdd: {  	v1 =	vld [tilespmem:s28+$0x60];
	_ =	sdelay $0x4  }
0xde: {  	v0 =	vadd.f32 v1, v0;
	_ =	sdelay $0x1  }
0xdf: {  	[tilespmem:s31+$0x60] =	vst v0;
	v0 =	vld [tilespmem:s31+$0x70]  }
0xe0: {  	v1 =	vld [tilespmem:s28+$0x70];
	_ =	sdelay $0x4  }
0xe1: {  	v0 =	vadd.f32 v1, v0;
	_ =	sdelay $0x1  }
0xe2: {  	[tilespmem:s31+$0x70] =	vst v0;
	v0 =	vld [tilespmem:s31+$0x80]  }
0xe3: {  	v1 =	vld [tilespmem:s28+$0x80];
	_ =	sdelay $0x4  }
0xe4: {  	v0 =	vadd.f32 v1, v0;
	_ =	sdelay $0x1  }
0xe5: {  	[tilespmem:s31+$0x80] =	vst v0;
	v0 =	vld [tilespmem:s31+$0x90]  }
0xe6: {  	v1 =	vld [tilespmem:s28+$0x90];
	_ =	sdelay $0x4  }
0xe7: {  	v0 =	vadd.f32 v1, v0;
	_ =	sdelay $0x1  }
0xe8: {  	[tilespmem:s31+$0x90] =	vst v0;
	v0 =	vld [tilespmem:s31+$0xA0]  }
0xe9: {  	v1 =	vld [tilespmem:s28+$0xA0];
	_ =	sdelay $0x4  }
0xea: {  	v0 =	vadd.f32 v1, v0;
	_ =	sdelay $0x1  }
0xeb: {  	[tilespmem:s31+$0xA0] =	vst v0;
	v0 =	vld [tilespmem:s31+$0xB0]  }
0xec: {  	v1 =	vld [tilespmem:s28+$0xB0];
	_ =	sdelay $0x4  }
0xed: {  	v0 =	vadd.f32 v1, v0;
	_ =	sdelay $0x1  }
0xee: {  	[tilespmem:s31+$0xB0] =	vst v0;
	v0 =	vld [tilespmem:s31+$0xC0]  }
0xef: {  	v1 =	vld [tilespmem:s28+$0xC0];
	_ =	sdelay $0x4  }
0xf0: {  	v0 =	vadd.f32 v1, v0;
	_ =	sdelay $0x1  }
0xf1: {  	[tilespmem:s31+$0xC0] =	vst v0;
	v0 =	vld [tilespmem:s31+$0xD0]  }
0xf2: {  	v1 =	vld [tilespmem:s28+$0xD0];
	_ =	sdelay $0x4  }
0xf3: {  	v0 =	vadd.f32 v1, v0;
	_ =	sdelay $0x1  }
0xf4: {  	[tilespmem:s31+$0xD0] =	vst v0;
	v0 =	vld [tilespmem:s31+$0xE0]  }
0xf5: {  	v1 =	vld [tilespmem:s28+$0xE0];
	_ =	sdelay $0x4  }
0xf6: {  	v0 =	vadd.f32 v1, v0;
	_ =	sdelay $0x1  }
0xf7: {  	[tilespmem:s31+$0xE0] =	vst v0;
	v0 =	vld [tilespmem:s31+$0xF0]  }
0xf8: {  	v1 =	vld [tilespmem:s28+$0xF0];
	_ =	sdelay $0x1  }
.Ltmp0:
0xf9: {  	(pc) =	sbr.rel @p1 .LBB2_3-.Ltmp0, $3  }
0xfa: {  	_ =	sdelay $0x1  }
0xfb: {  	v0 =	vadd.f32 v1, v0  }
0xfc: {  	s31 =	sadd.s32 $0x200, s31  }
0xfd: {  	s0 =	smul.u32 $0x50, s25;
	s25 =	sadd.s32 $0x1, s25  }
0xfe: {  	p1 =	sne.s32 s25, $0x7D  }
.Ltmp1:
0xff: {  	_ = 	snop;
	(pc) =	sbr.rel @p1 .LBB2_2-.Ltmp1, $4  }
0x100: {  	s0 =	sadd.s32 s5, s0  }
0x101: {  	s0 =	sshll.u32 s0, $0x4  }
0x102: {  	[tilespmem:s26+$0xF0] =	vst v0;
	p0 =	por !p0, !p0;
	s0 =	sadd.s32 s8, s0  }
0x103: {  	[hbm4b:s0+s3] =	stream.linear.scatter [tilespmem:s29], [sflag:$0x3], $0x2800, $0x38;
	[tilespmem:$0xA200] =	vst v63  }
0x104: {  	s24 =	sadd.s32 $0x1, s24  }
0x105: {  	_ =	swait.ge [sflag:s23], $0x2800;
	p0 =	sne.s32 s24, s14  }
.Ltmp2:
0x106: {  	[sflag:s23] =	ssyncset.done $0x0;
	(pc) =	sbr.rel @p0 .LBB2_1-.Ltmp2, $4  }
0x107: {  	[sflag:s23] =	ssyncadd.s32 $0xFFFFD800  }
0x108: {  	_ =	swait.ge [sflag:s23], $0x2800  }
0x109: {  	[sflag:s23] =	ssyncset.done $0x0  }
0x10a: {  	[sflag:s23] =	ssyncadd.s32 $0xFFFFD800  }
0x10b: {  	_ =	sfence.sel $0x180000  }
0x10c: {  	[bflag:$0x0] =	sbarrier.arrive $0xFFFF  }
0x10d: {  	_ =	strace $0x90000047  }
0x10e: {  	[bflag:$0x2] =	sbarrier.arrive $0xFFFF  }
0x10f: {  	p0 =	sne.s32 s1, $0x0;
	s0 =	rddreg [dreg:$0x2]  }
0x110: {  	s0 =	sadd.s32 @!p0 $0x100000, s0  }
0x111: {  	[sflag:s0] =	ssyncadd.tile.s32 @!p0 $0x1;
	_ =	shalt  }
.Lfunc_end2:
_tile_overlayer_lowered:
.L_overlay_start_2:
0x112: {  	(tag) =	ssettag $0x2  }
0x113: {  	s0 =	rddreg [dreg:$0x0];
	s2 =	stileid.u32  }
0x114: {  	s1 =	rddreg [dreg:$0x1];
	p0 =	sne.s32 s2, $0x0  }
0x115: {  	s3 =	rddreg [dreg:$0x2];
	[bflag:$0x3] =	sbarrier.arrive $0xFFFF;
	s2 =	simm.s32 @!p0 $0x1C04  }
0x116: {  	[timem:s3], [sflag:s2] =	dma.local @!p0 [hbm:s0], s1  }
0x117: {  	s0 =	simm.s32 @!p0 $0x4  }
0x118: {  	_ =	swait.ge @!p0 [sflag:s0], s1  }
0x119: {  	s1 =	ssub.s32 @!p0 $0x0, s1;
	[sflag:s0] =	ssyncset.done @!p0 $0x0  }
0x11a: {  	[sflag:s0] =	ssyncadd.s32 @!p0 s1  }
0x11b: {  	[bflag:$0x3] =	sbarrier.arrive $0xFFFF  }
0x11c: {  	_ =	shalt  }

</sc_bundles>
